<compile_context>
chip_gen: v7x
topology: tpu7x:2x2x1
jax: 0.10.2.dev20260603
libtpu: 0.0.44.dev20260713+nightly
codegen_flags: <defaults>
</compile_context>

<pallas_src>
import jax
import jax.numpy as jnp
from jax import lax
from jax.experimental import pallas as pl
from jax.experimental.pallas import tpu as pltpu
from jax.experimental.pallas import tpu_sc as plsc

BATCH = 16384
DIM = 128

_NC = 2
_NS = 16
_NW = _NC * _NS
_CHUNK = 128
_SPLITS = (8192, 8192)


def _make_sc_gather_body(row0, srows):
    _NCHUNK = srows // (_NW * _CHUNK)

    def body(uidx_hbm, iidx_hbm, user_emb_hbm, item_emb_hbm,
             x_hbm,
             uidx_v, iidx_v,
             ur0, ur1, ir0, ir1,
             g0, g1, s0, s1):
        wid = lax.axis_index("s") * _NC + lax.axis_index("c")
        idx_row0 = row0 // _CHUNK + wid * _NCHUNK
        ubuf, ibuf = (ur0, ur1), (ir0, ir1)
        gsem, ssem = (g0, g1), (s0, s1)
        stage = []
        for c in range(_NCHUNK):
            stage.append(pltpu.async_copy(uidx_hbm.at[pl.ds(idx_row0 + c, 1)],
                                          uidx_v.at[pl.ds(c, 1)], g0))
            stage.append(pltpu.async_copy(iidx_hbm.at[pl.ds(idx_row0 + c, 1)],
                                          iidx_v.at[pl.ds(c, 1)], g1))
        for cp in stage:
            cp.wait()

        def fire_gather(c, s):
            cu = pltpu.async_copy(user_emb_hbm.at[uidx_v.at[c]], ubuf[s], gsem[s])
            ci = pltpu.async_copy(item_emb_hbm.at[iidx_v.at[c]], ibuf[s], gsem[s])
            return cu, ci

        scat = [None, None]
        gath = [None, None]
        gath[0] = fire_gather(0, 0)
        for c in range(_NCHUNK):
            s = c % 2
            if c + 1 < _NCHUNK:
                if scat[1 - s] is not None:
                    scat[1 - s][0].wait()
                    scat[1 - s][1].wait()
                gath[1 - s] = fire_gather(c + 1, 1 - s)
            gath[s][0].wait()
            gath[s][1].wait()
            blk = wid * _NCHUNK + c
            su = pltpu.async_copy(
                ubuf[s], x_hbm.at[blk, slice(None), pl.ds(0, DIM)], ssem[s])
            si = pltpu.async_copy(
                ibuf[s], x_hbm.at[blk, slice(None), pl.ds(DIM, DIM)], ssem[s])
            scat[s] = (su, si)
        for s in range(2):
            if scat[s] is not None:
                scat[s][0].wait()
                scat[s][1].wait()

    return body


def _sc_gather(row0, srows, uidx, iidx, user_emb, item_emb):
    nchunk = srows // (_NW * _CHUNK)
    mesh = plsc.VectorSubcoreMesh(core_axis_name="c", subcore_axis_name="s")
    return pl.kernel(
        _make_sc_gather_body(row0, srows),
        out_type=jax.ShapeDtypeStruct((srows // _CHUNK, _CHUNK, 2 * DIM),
                                      jnp.float32),
        mesh=mesh,
        compiler_params=pltpu.CompilerParams(use_tc_tiling_on_sc=True),
        scratch_types=[
            pltpu.VMEM((nchunk, _CHUNK), jnp.int32),
            pltpu.VMEM((nchunk, _CHUNK), jnp.int32),
            pltpu.VMEM((_CHUNK, DIM), jnp.float32),
            pltpu.VMEM((_CHUNK, DIM), jnp.float32),
            pltpu.VMEM((_CHUNK, DIM), jnp.float32),
            pltpu.VMEM((_CHUNK, DIM), jnp.float32),
            pltpu.SemaphoreType.DMA,
            pltpu.SemaphoreType.DMA,
            pltpu.SemaphoreType.DMA,
            pltpu.SemaphoreType.DMA,
        ],
    )(uidx, iidx, user_emb, item_emb)


_TILE = 4096


def _dot_t(x, w):
    return lax.dot_general(x, w, (((1,), (1,)), ((), ())),
                           preferred_element_type=jnp.float32)


def _mlp_body(x_ref, w0_ref, b0_ref, w1_ref, b1_ref,
              w2_ref, b2_ref, w3_ref, b3_ref, out_ref):
    x = x_ref[...].reshape(_TILE, 2 * DIM)
    h = jnp.maximum(_dot_t(x, w0_ref[...]) + b0_ref[...], 0.0)
    h = jnp.maximum(_dot_t(h, w1_ref[...]) + b1_ref[...], 0.0)
    h = jnp.maximum(_dot_t(h, w2_ref[...]) + b2_ref[...], 0.0)
    h = jnp.dot(h, w3_ref[...], preferred_element_type=jnp.float32)
    h = jnp.maximum(h + b3_ref[...], 0.0)
    out_ref[...] = 1.0 / (1.0 + jnp.exp(-h))


def _mlp(x, w0, b0, w1, b1, w2, b2, w3, b3):
    rows = x.shape[0] * _CHUNK
    grid = (rows // _TILE,)
    full = lambda shape: pl.BlockSpec(shape, lambda i: (0, 0))
    return pl.pallas_call(
        _mlp_body,
        grid=grid,
        in_specs=[
            pl.BlockSpec((_TILE // _CHUNK, _CHUNK, 2 * DIM),
                         lambda i: (i, 0, 0)),
            full(w0.shape), full(b0.shape),
            full(w1.shape), full(b1.shape),
            full(w2.shape), full(b2.shape),
            full(w3.shape), full(b3.shape),
        ],
        out_specs=pl.BlockSpec((_TILE, 1), lambda i: (i, 0)),
        out_shape=jax.ShapeDtypeStruct((rows, 1), jnp.float32),
    )(x, w0, b0, w1, b1, w2, b2, w3, b3)


def kernel(item_index, user_index, item_emb, user_emb,
           W0, b0, W1, b1, W2, b2, W3, b3):
    uidx = user_index.astype(jnp.int32).reshape(BATCH // _CHUNK, _CHUNK)
    iidx = item_index.astype(jnp.int32).reshape(BATCH // _CHUNK, _CHUNK)

    wargs = (W0, b0.reshape(1, -1),
             W1, b1.reshape(1, -1),
             W2, b2.reshape(1, -1),
             W3.T, b3.reshape(1, -1))

    xs = []
    row0 = 0
    for srows in _SPLITS:
        xs.append(_sc_gather(row0, srows, uidx, iidx, user_emb, item_emb))
        row0 += srows
    outs = [_mlp(x, *wargs) for x in xs]
    if len(outs) == 1:
        return outs[0]
    return jnp.concatenate(outs, axis=0)

# --- scband reference (transcript-rebuilt; emitter-appended) ---
"""Pipeline reference for scband-neural-collab-filter-49924699848968 (READ-ONLY COPY).

The authoritative reference and input builder live on the scoring server;
editing this copy changes nothing except your own understanding.
"""

import jax, jax.numpy as jnp
import numpy as np

ITEMS = 100000
USERS = 100000
DIM = 128
BATCH = 16384
LAYERS = [(256, 256), (256, 128), (128, 64), (64, 1)]


def setup_inputs(seed: int = 0) -> dict:
    key = jax.random.key(seed)
    keys = jax.random.split(key, 4 + 2 * len(LAYERS))
    item_index = jax.random.randint(keys[0], (BATCH,), 0, ITEMS, dtype=jnp.int64 if jax.config.jax_enable_x64 else jnp.int32)
    user_index = jax.random.randint(keys[1], (BATCH,), 0, USERS, dtype=jnp.int64 if jax.config.jax_enable_x64 else jnp.int32)
    item_emb = jax.random.normal(keys[2], (ITEMS, DIM), dtype=jnp.float32)
    user_emb = jax.random.normal(keys[3], (USERS, DIM), dtype=jnp.float32)
    inp = {
        'item_index': item_index,
        'user_index': user_index,
        'item_emb': item_emb,
        'user_emb': user_emb,
    }
    for i, (fin, fout) in enumerate(LAYERS):
        w = jax.random.normal(keys[4 + 2 * i], (fout, fin), dtype=jnp.float32) * (1.0 / np.sqrt(fin))
        b = jax.random.normal(keys[5 + 2 * i], (fout,), dtype=jnp.float32) * 0.01
        inp[f'W{i}'] = w
        inp[f'b{i}'] = b
    return inp


def reference(item_index, user_index, item_emb, user_emb, W0, b0, W1, b1, W2, b2, W3, b3):
    ue = jnp.take(user_emb, user_index, axis=0)
    ie = jnp.take(item_emb, item_index, axis=0)
    x = jnp.concatenate([ue, ie], axis=-1)
    for W, b in ((W0, b0), (W1, b1), (W2, b2), (W3, b3)):
        x = x @ W.T + b
        x = jax.nn.relu(x)
    out = jax.nn.sigmoid(x)
    return out

if __name__ == "__main__":
    import jax
    _d = setup_inputs()
    print(jax.jit(kernel)(*tuple(_d.values())))

</pallas_src>

<mosaic_0001>
#map = affine_map<(d0, d1) -> (0, 0)>
#map1 = affine_map<(d0, d1) -> (0, 0, 0)>
module attributes {stable_mosaic.version = 14 : i64} {
  func.func @body(%arg0: i32, %arg1: i32, %arg2: memref<128x128xi32, #tpu.memory_space<hbm>>, %arg3: memref<128x128xi32, #tpu.memory_space<hbm>>, %arg4: memref<100000x128xf32, #tpu.memory_space<hbm>>, %arg5: memref<100000x128xf32, #tpu.memory_space<hbm>>, %arg6: memref<64x128x256xf32, #tpu.memory_space<hbm>>, %arg7: memref<2x128xi32, #tpu.memory_space<vmem>>, %arg8: memref<2x128xi32, #tpu.memory_space<vmem>>, %arg9: memref<128x128xf32, #tpu.memory_space<vmem>>, %arg10: memref<128x128xf32, #tpu.memory_space<vmem>>, %arg11: memref<128x128xf32, #tpu.memory_space<vmem>>, %arg12: memref<128x128xf32, #tpu.memory_space<vmem>>, %arg13: memref<!tpu.dma_semaphore, #tpu.memory_space<semaphore_mem>>, %arg14: memref<!tpu.dma_semaphore, #tpu.memory_space<semaphore_mem>>, %arg15: memref<!tpu.dma_semaphore, #tpu.memory_space<semaphore_mem>>, %arg16: memref<!tpu.dma_semaphore, #tpu.memory_space<semaphore_mem>>) attributes {dimension_semantics = [#tpu.dimension_semantics<core_parallel>, #tpu.dimension_semantics<subcore_parallel>], iteration_bounds = array<i64: 2, 16>, scalar_prefetch = 0 : i64, scratch_operands = 10 : i64, tpu.core_type = #tpu.core_type<sc_vector_subcore>, window_params = [{transform_indices = #map}, {transform_indices = #map}, {transform_indices = #map}, {transform_indices = #map}, {transform_indices = #map1}]} {
    %mul3A = arith.constant 2 : i32
    %mul3A_0 = arith.muli %arg1, %mul3A : i32
    %add3A = arith.addi %mul3A_0, %arg0 : i32
    %mul3A_1 = arith.constant 2 : i32
    %mul3A_2 = arith.muli %add3A, %mul3A_1 : i32
    %add3A_3 = arith.constant 0 : i32
    %add3A_4 = arith.addi %add3A_3, %mul3A_2 : i32
    %add3A_5 = arith.constant 0 : i32
    %add3A_6 = arith.addi %add3A_4, %add3A_5 : i32
    %dma_start3A = arith.constant 0 : i32
    %dma_start3A_7 = arith.constant 0 : i32
    %dma_start3A_8 = tpu.memref_slice %arg7[%dma_start3A, %dma_start3A_7] : memref<2x128xi32, #tpu.memory_space<vmem>> -> memref<1x128xi32, #tpu.memory_space<vmem>>
    %dma_start3A_9 = arith.constant 0 : i32
    %dma_start3A_10 = tpu.memref_slice %arg2[%add3A_6, %dma_start3A_9] : memref<128x128xi32, #tpu.memory_space<hbm>> -> memref<1x128xi32, #tpu.memory_space<hbm>>
    %dma_start3A_11 = arith.constant 0 : i32
    %dma_start3A_12 = arith.constant 0 : i32
    %dma_start3A_13 = tpu.memref_slice %arg7[%dma_start3A_11, %dma_start3A_12] : memref<2x128xi32, #tpu.memory_space<vmem>> -> memref<1x128xi32, #tpu.memory_space<vmem>>
    %dma_start3A_14 = arith.constant 0 : i32
    %dma_start3A_15 = tpu.memref_slice %arg2[%add3A_6, %dma_start3A_14] : memref<128x128xi32, #tpu.memory_space<hbm>> -> memref<1x128xi32, #tpu.memory_space<hbm>>
    tpu.enqueue_dma source(%dma_start3A_15 : memref<1x128xi32, #tpu.memory_space<hbm>>) target(%dma_start3A_13 : memref<1x128xi32, #tpu.memory_space<vmem>>) target_semaphore(%arg13 : memref<!tpu.dma_semaphore, #tpu.memory_space<semaphore_mem>>)
    %add3A_16 = arith.constant 0 : i32
    %add3A_17 = arith.addi %add3A_4, %add3A_16 : i32
    %dma_start3A_18 = arith.constant 0 : i32
    %dma_start3A_19 = arith.constant 0 : i32
    %dma_start3A_20 = tpu.memref_slice %arg8[%dma_start3A_18, %dma_start3A_19] : memref<2x128xi32, #tpu.memory_space<vmem>> -> memref<1x128xi32, #tpu.memory_space<vmem>>
    %dma_start3A_21 = arith.constant 0 : i32
    %dma_start3A_22 = tpu.memref_slice %arg3[%add3A_17, %dma_start3A_21] : memref<128x128xi32, #tpu.memory_space<hbm>> -> memref<1x128xi32, #tpu.memory_space<hbm>>
    %dma_start3A_23 = arith.constant 0 : i32
    %dma_start3A_24 = arith.constant 0 : i32
    %dma_start3A_25 = tpu.memref_slice %arg8[%dma_start3A_23, %dma_start3A_24] : memref<2x128xi32, #tpu.memory_space<vmem>> -> memref<1x128xi32, #tpu.memory_space<vmem>>
    %dma_start3A_26 = arith.constant 0 : i32
    %dma_start3A_27 = tpu.memref_slice %arg3[%add3A_17, %dma_start3A_26] : memref<128x128xi32, #tpu.memory_space<hbm>> -> memref<1x128xi32, #tpu.memory_space<hbm>>
    tpu.enqueue_dma source(%dma_start3A_27 : memref<1x128xi32, #tpu.memory_space<hbm>>) target(%dma_start3A_25 : memref<1x128xi32, #tpu.memory_space<vmem>>) target_semaphore(%arg14 : memref<!tpu.dma_semaphore, #tpu.memory_space<semaphore_mem>>)
    %add3A_28 = arith.constant 1 : i32
    %add3A_29 = arith.addi %add3A_4, %add3A_28 : i32
    %dma_start3A_30 = arith.constant 1 : i32
    %dma_start3A_31 = arith.constant 0 : i32
    %dma_start3A_32 = tpu.memref_slice %arg7[%dma_start3A_30, %dma_start3A_31] : memref<2x128xi32, #tpu.memory_space<vmem>> -> memref<1x128xi32, #tpu.memory_space<vmem>>
    %dma_start3A_33 = arith.constant 0 : i32
    %dma_start3A_34 = tpu.memref_slice %arg2[%add3A_29, %dma_start3A_33] : memref<128x128xi32, #tpu.memory_space<hbm>> -> memref<1x128xi32, #tpu.memory_space<hbm>>
    %dma_start3A_35 = arith.constant 1 : i32
    %dma_start3A_36 = arith.constant 0 : i32
    %dma_start3A_37 = tpu.memref_slice %arg7[%dma_start3A_35, %dma_start3A_36] : memref<2x128xi32, #tpu.memory_space<vmem>> -> memref<1x128xi32, #tpu.memory_space<vmem>>
    %dma_start3A_38 = arith.constant 0 : i32
    %dma_start3A_39 = tpu.memref_slice %arg2[%add3A_29, %dma_start3A_38] : memref<128x128xi32, #tpu.memory_space<hbm>> -> memref<1x128xi32, #tpu.memory_space<hbm>>
    tpu.enqueue_dma source(%dma_start3A_39 : memref<1x128xi32, #tpu.memory_space<hbm>>) target(%dma_start3A_37 : memref<1x128xi32, #tpu.memory_space<vmem>>) target_semaphore(%arg13 : memref<!tpu.dma_semaphore, #tpu.memory_space<semaphore_mem>>)
    %add3A_40 = arith.constant 1 : i32
    %add3A_41 = arith.addi %add3A_4, %add3A_40 : i32
    %dma_start3A_42 = arith.constant 1 : i32
    %dma_start3A_43 = arith.constant 0 : i32
    %dma_start3A_44 = tpu.memref_slice %arg8[%dma_start3A_42, %dma_start3A_43] : memref<2x128xi32, #tpu.memory_space<vmem>> -> memref<1x128xi32, #tpu.memory_space<vmem>>
    %dma_start3A_45 = arith.constant 0 : i32
    %dma_start3A_46 = tpu.memref_slice %arg3[%add3A_41, %dma_start3A_45] : memref<128x128xi32, #tpu.memory_space<hbm>> -> memref<1x128xi32, #tpu.memory_space<hbm>>
    %dma_start3A_47 = arith.constant 1 : i32
    %dma_start3A_48 = arith.constant 0 : i32
    %dma_start3A_49 = tpu.memref_slice %arg8[%dma_start3A_47, %dma_start3A_48] : memref<2x128xi32, #tpu.memory_space<vmem>> -> memref<1x128xi32, #tpu.memory_space<vmem>>
    %dma_start3A_50 = arith.constant 0 : i32
    %dma_start3A_51 = tpu.memref_slice %arg3[%add3A_41, %dma_start3A_50] : memref<128x128xi32, #tpu.memory_space<hbm>> -> memref<1x128xi32, #tpu.memory_space<hbm>>
    tpu.enqueue_dma source(%dma_start3A_51 : memref<1x128xi32, #tpu.memory_space<hbm>>) target(%dma_start3A_49 : memref<1x128xi32, #tpu.memory_space<vmem>>) target_semaphore(%arg14 : memref<!tpu.dma_semaphore, #tpu.memory_space<semaphore_mem>>)
    %dma_wait3A = arith.constant 0 : i32
    %dma_wait3A_52 = arith.constant 0 : i32
    %dma_wait3A_53 = tpu.memref_slice %arg7[%dma_wait3A, %dma_wait3A_52] : memref<2x128xi32, #tpu.memory_space<vmem>> -> memref<1x128xi32, #tpu.memory_space<vmem>>
    %dma_wait3A_54 = arith.constant 0 : i32
    %dma_wait3A_55 = tpu.memref_slice %arg2[%add3A_6, %dma_wait3A_54] : memref<128x128xi32, #tpu.memory_space<hbm>> -> memref<1x128xi32, #tpu.memory_space<hbm>>
    %dma_wait3A_56 = arith.constant 0 : i32
    %dma_wait3A_57 = arith.constant 0 : i32
    %dma_wait3A_58 = tpu.memref_slice %arg7[%dma_wait3A_56, %dma_wait3A_57] : memref<2x128xi32, #tpu.memory_space<vmem>> -> memref<1x128xi32, #tpu.memory_space<vmem>>
    %dma_wait3A_59 = arith.constant 0 : i32
    %dma_wait3A_60 = tpu.memref_slice %arg2[%add3A_6, %dma_wait3A_59] : memref<128x128xi32, #tpu.memory_space<hbm>> -> memref<1x128xi32, #tpu.memory_space<hbm>>
    tpu.wait_dma2 semaphore(%arg13 : memref<!tpu.dma_semaphore, #tpu.memory_space<semaphore_mem>>) src(%dma_wait3A_60 : memref<1x128xi32, #tpu.memory_space<hbm>>) dst(%dma_wait3A_58 : memref<1x128xi32, #tpu.memory_space<vmem>>)
    %dma_wait3A_61 = arith.constant 0 : i32
    %dma_wait3A_62 = arith.constant 0 : i32
    %dma_wait3A_63 = tpu.memref_slice %arg8[%dma_wait3A_61, %dma_wait3A_62] : memref<2x128xi32, #tpu.memory_space<vmem>> -> memref<1x128xi32, #tpu.memory_space<vmem>>
    %dma_wait3A_64 = arith.constant 0 : i32
    %dma_wait3A_65 = tpu.memref_slice %arg3[%add3A_17, %dma_wait3A_64] : memref<128x128xi32, #tpu.memory_space<hbm>> -> memref<1x128xi32, #tpu.memory_space<hbm>>
    %dma_wait3A_66 = arith.constant 0 : i32
    %dma_wait3A_67 = arith.constant 0 : i32
    %dma_wait3A_68 = tpu.memref_slice %arg8[%dma_wait3A_66, %dma_wait3A_67] : memref<2x128xi32, #tpu.memory_space<vmem>> -> memref<1x128xi32, #tpu.memory_space<vmem>>
    %dma_wait3A_69 = arith.constant 0 : i32
    %dma_wait3A_70 = tpu.memref_slice %arg3[%add3A_17, %dma_wait3A_69] : memref<128x128xi32, #tpu.memory_space<hbm>> -> memref<1x128xi32, #tpu.memory_space<hbm>>
    tpu.wait_dma2 semaphore(%arg14 : memref<!tpu.dma_semaphore, #tpu.memory_space<semaphore_mem>>) src(%dma_wait3A_70 : memref<1x128xi32, #tpu.memory_space<hbm>>) dst(%dma_wait3A_68 : memref<1x128xi32, #tpu.memory_space<vmem>>)
    %dma_wait3A_71 = arith.constant 1 : i32
    %dma_wait3A_72 = arith.constant 0 : i32
    %dma_wait3A_73 = tpu.memref_slice %arg7[%dma_wait3A_71, %dma_wait3A_72] : memref<2x128xi32, #tpu.memory_space<vmem>> -> memref<1x128xi32, #tpu.memory_space<vmem>>
    %dma_wait3A_74 = arith.constant 0 : i32
    %dma_wait3A_75 = tpu.memref_slice %arg2[%add3A_29, %dma_wait3A_74] : memref<128x128xi32, #tpu.memory_space<hbm>> -> memref<1x128xi32, #tpu.memory_space<hbm>>
    %dma_wait3A_76 = arith.constant 1 : i32
    %dma_wait3A_77 = arith.constant 0 : i32
    %dma_wait3A_78 = tpu.memref_slice %arg7[%dma_wait3A_76, %dma_wait3A_77] : memref<2x128xi32, #tpu.memory_space<vmem>> -> memref<1x128xi32, #tpu.memory_space<vmem>>
    %dma_wait3A_79 = arith.constant 0 : i32
    %dma_wait3A_80 = tpu.memref_slice %arg2[%add3A_29, %dma_wait3A_79] : memref<128x128xi32, #tpu.memory_space<hbm>> -> memref<1x128xi32, #tpu.memory_space<hbm>>
    tpu.wait_dma2 semaphore(%arg13 : memref<!tpu.dma_semaphore, #tpu.memory_space<semaphore_mem>>) src(%dma_wait3A_80 : memref<1x128xi32, #tpu.memory_space<hbm>>) dst(%dma_wait3A_78 : memref<1x128xi32, #tpu.memory_space<vmem>>)
    %dma_wait3A_81 = arith.constant 1 : i32
    %dma_wait3A_82 = arith.constant 0 : i32
    %dma_wait3A_83 = tpu.memref_slice %arg8[%dma_wait3A_81, %dma_wait3A_82] : memref<2x128xi32, #tpu.memory_space<vmem>> -> memref<1x128xi32, #tpu.memory_space<vmem>>
    %dma_wait3A_84 = arith.constant 0 : i32
    %dma_wait3A_85 = tpu.memref_slice %arg3[%add3A_41, %dma_wait3A_84] : memref<128x128xi32, #tpu.memory_space<hbm>> -> memref<1x128xi32, #tpu.memory_space<hbm>>
    %dma_wait3A_86 = arith.constant 1 : i32
    %dma_wait3A_87 = arith.constant 0 : i32
    %dma_wait3A_88 = tpu.memref_slice %arg8[%dma_wait3A_86, %dma_wait3A_87] : memref<2x128xi32, #tpu.memory_space<vmem>> -> memref<1x128xi32, #tpu.memory_space<vmem>>
    %dma_wait3A_89 = arith.constant 0 : i32
    %dma_wait3A_90 = tpu.memref_slice %arg3[%add3A_41, %dma_wait3A_89] : memref<128x128xi32, #tpu.memory_space<hbm>> -> memref<1x128xi32, #tpu.memory_space<hbm>>
    tpu.wait_dma2 semaphore(%arg14 : memref<!tpu.dma_semaphore, #tpu.memory_space<semaphore_mem>>) src(%dma_wait3A_90 : memref<1x128xi32, #tpu.memory_space<hbm>>) dst(%dma_wait3A_88 : memref<1x128xi32, #tpu.memory_space<vmem>>)
    %dma_start3A_91 = arith.constant 0 : i32
    %dma_start3A_92 = arith.constant 0 : i32
    %dma_start3A_93 = tpu.memref_slice %arg7[%dma_start3A_91, %dma_start3A_92] : memref<2x128xi32, #tpu.memory_space<vmem>> -> memref<1x128xi32, #tpu.memory_space<vmem>>
    %dma_start3A_94 = tpu.memref_squeeze %dma_start3A_93 : memref<1x128xi32, #tpu.memory_space<vmem>> -> memref<128xi32, #tpu.memory_space<vmem>>
    %dma_start3A_95 = arith.constant 0 : i32
    %dma_start3A_96 = arith.constant 0 : i32
    %dma_start3A_97 = tpu.memref_slice %arg4[%dma_start3A_95, %dma_start3A_96] : memref<100000x128xf32, #tpu.memory_space<hbm>> -> memref<100000x128xf32, #tpu.memory_space<hbm>>
    tpu.enqueue_indirect_dma source(%dma_start3A_97 : memref<100000x128xf32, #tpu.memory_space<hbm>>) target(%arg9 : memref<128x128xf32, #tpu.memory_space<vmem>>) offsets(%dma_start3A_94 : memref<128xi32, #tpu.memory_space<vmem>>) semaphore(%arg13 : memref<!tpu.dma_semaphore, #tpu.memory_space<semaphore_mem>>)
    %dma_start3A_98 = arith.constant 0 : i32
    %dma_start3A_99 = arith.constant 0 : i32
    %dma_start3A_100 = tpu.memref_slice %arg8[%dma_start3A_98, %dma_start3A_99] : memref<2x128xi32, #tpu.memory_space<vmem>> -> memref<1x128xi32, #tpu.memory_space<vmem>>
    %dma_start3A_101 = tpu.memref_squeeze %dma_start3A_100 : memref<1x128xi32, #tpu.memory_space<vmem>> -> memref<128xi32, #tpu.memory_space<vmem>>
    %dma_start3A_102 = arith.constant 0 : i32
    %dma_start3A_103 = arith.constant 0 : i32
    %dma_start3A_104 = tpu.memref_slice %arg5[%dma_start3A_102, %dma_start3A_103] : memref<100000x128xf32, #tpu.memory_space<hbm>> -> memref<100000x128xf32, #tpu.memory_space<hbm>>
    tpu.enqueue_indirect_dma source(%dma_start3A_104 : memref<100000x128xf32, #tpu.memory_space<hbm>>) target(%arg11 : memref<128x128xf32, #tpu.memory_space<vmem>>) offsets(%dma_start3A_101 : memref<128xi32, #tpu.memory_space<vmem>>) semaphore(%arg13 : memref<!tpu.dma_semaphore, #tpu.memory_space<semaphore_mem>>)
    %dma_start3A_105 = arith.constant 1 : i32
    %dma_start3A_106 = arith.constant 0 : i32
    %dma_start3A_107 = tpu.memref_slice %arg7[%dma_start3A_105, %dma_start3A_106] : memref<2x128xi32, #tpu.memory_space<vmem>> -> memref<1x128xi32, #tpu.memory_space<vmem>>
    %dma_start3A_108 = tpu.memref_squeeze %dma_start3A_107 : memref<1x128xi32, #tpu.memory_space<vmem>> -> memref<128xi32, #tpu.memory_space<vmem>>
    %dma_start3A_109 = arith.constant 0 : i32
    %dma_start3A_110 = arith.constant 0 : i32
    %dma_start3A_111 = tpu.memref_slice %arg4[%dma_start3A_109, %dma_start3A_110] : memref<100000x128xf32, #tpu.memory_space<hbm>> -> memref<100000x128xf32, #tpu.memory_space<hbm>>
    tpu.enqueue_indirect_dma source(%dma_start3A_111 : memref<100000x128xf32, #tpu.memory_space<hbm>>) target(%arg10 : memref<128x128xf32, #tpu.memory_space<vmem>>) offsets(%dma_start3A_108 : memref<128xi32, #tpu.memory_space<vmem>>) semaphore(%arg14 : memref<!tpu.dma_semaphore, #tpu.memory_space<semaphore_mem>>)
    %dma_start3A_112 = arith.constant 1 : i32
    %dma_start3A_113 = arith.constant 0 : i32
    %dma_start3A_114 = tpu.memref_slice %arg8[%dma_start3A_112, %dma_start3A_113] : memref<2x128xi32, #tpu.memory_space<vmem>> -> memref<1x128xi32, #tpu.memory_space<vmem>>
    %dma_start3A_115 = tpu.memref_squeeze %dma_start3A_114 : memref<1x128xi32, #tpu.memory_space<vmem>> -> memref<128xi32, #tpu.memory_space<vmem>>
    %dma_start3A_116 = arith.constant 0 : i32
    %dma_start3A_117 = arith.constant 0 : i32
    %dma_start3A_118 = tpu.memref_slice %arg5[%dma_start3A_116, %dma_start3A_117] : memref<100000x128xf32, #tpu.memory_space<hbm>> -> memref<100000x128xf32, #tpu.memory_space<hbm>>
    tpu.enqueue_indirect_dma source(%dma_start3A_118 : memref<100000x128xf32, #tpu.memory_space<hbm>>) target(%arg12 : memref<128x128xf32, #tpu.memory_space<vmem>>) offsets(%dma_start3A_115 : memref<128xi32, #tpu.memory_space<vmem>>) semaphore(%arg14 : memref<!tpu.dma_semaphore, #tpu.memory_space<semaphore_mem>>)
    %dma_wait3A_119 = arith.constant 0 : i32
    %dma_wait3A_120 = arith.constant 0 : i32
    %dma_wait3A_121 = tpu.memref_slice %arg7[%dma_wait3A_119, %dma_wait3A_120] : memref<2x128xi32, #tpu.memory_space<vmem>> -> memref<1x128xi32, #tpu.memory_space<vmem>>
    %dma_wait3A_122 = tpu.memref_squeeze %dma_wait3A_121 : memref<1x128xi32, #tpu.memory_space<vmem>> -> memref<128xi32, #tpu.memory_space<vmem>>
    %dma_wait3A_123 = arith.constant 0 : i32
    %dma_wait3A_124 = arith.constant 0 : i32
    %dma_wait3A_125 = tpu.memref_slice %arg4[%dma_wait3A_123, %dma_wait3A_124] : memref<100000x128xf32, #tpu.memory_space<hbm>> -> memref<100000x128xf32, #tpu.memory_space<hbm>>
    tpu.wait_indirect_dma semaphore(%arg13 : memref<!tpu.dma_semaphore, #tpu.memory_space<semaphore_mem>>) src(%dma_wait3A_125 : memref<100000x128xf32, #tpu.memory_space<hbm>>) dst(%arg9 : memref<128x128xf32, #tpu.memory_space<vmem>>)
    %dma_wait3A_126 = arith.constant 0 : i32
    %dma_wait3A_127 = arith.constant 0 : i32
    %dma_wait3A_128 = tpu.memref_slice %arg8[%dma_wait3A_126, %dma_wait3A_127] : memref<2x128xi32, #tpu.memory_space<vmem>> -> memref<1x128xi32, #tpu.memory_space<vmem>>
    %dma_wait3A_129 = tpu.memref_squeeze %dma_wait3A_128 : memref<1x128xi32, #tpu.memory_space<vmem>> -> memref<128xi32, #tpu.memory_space<vmem>>
    %dma_wait3A_130 = arith.constant 0 : i32
    %dma_wait3A_131 = arith.constant 0 : i32
    %dma_wait3A_132 = tpu.memref_slice %arg5[%dma_wait3A_130, %dma_wait3A_131] : memref<100000x128xf32, #tpu.memory_space<hbm>> -> memref<100000x128xf32, #tpu.memory_space<hbm>>
    tpu.wait_indirect_dma semaphore(%arg13 : memref<!tpu.dma_semaphore, #tpu.memory_space<semaphore_mem>>) src(%dma_wait3A_132 : memref<100000x128xf32, #tpu.memory_space<hbm>>) dst(%arg11 : memref<128x128xf32, #tpu.memory_space<vmem>>)
    %mul3A_133 = arith.constant 2 : i32
    %mul3A_134 = arith.muli %add3A, %mul3A_133 : i32
    %add3A_135 = arith.constant 0 : i32
    %add3A_136 = arith.addi %mul3A_134, %add3A_135 : i32
    %dma_start3A_137 = arith.constant 0 : i32
    %dma_start3A_138 = arith.constant 0 : i32
    %dma_start3A_139 = tpu.memref_slice %arg6[%add3A_136, %dma_start3A_137, %dma_start3A_138] : memref<64x128x256xf32, #tpu.memory_space<hbm>> -> memref<1x128x128xf32, #tpu.memory_space<hbm>>
    %dma_start3A_140 = tpu.memref_squeeze %dma_start3A_139 : memref<1x128x128xf32, #tpu.memory_space<hbm>> -> memref<128x128xf32, #tpu.memory_space<hbm>>
    %dma_start3A_141 = arith.constant 0 : i32
    %dma_start3A_142 = arith.constant 0 : i32
    %dma_start3A_143 = tpu.memref_slice %arg6[%add3A_136, %dma_start3A_141, %dma_start3A_142] : memref<64x128x256xf32, #tpu.memory_space<hbm>> -> memref<1x128x128xf32, #tpu.memory_space<hbm>>
    %dma_start3A_144 = tpu.memref_squeeze %dma_start3A_143 : memref<1x128x128xf32, #tpu.memory_space<hbm>> -> memref<128x128xf32, #tpu.memory_space<hbm>>
    tpu.enqueue_dma source(%arg9 : memref<128x128xf32, #tpu.memory_space<vmem>>) target(%dma_start3A_144 : memref<128x128xf32, #tpu.memory_space<hbm>>) target_semaphore(%arg15 : memref<!tpu.dma_semaphore, #tpu.memory_space<semaphore_mem>>)
    %dma_start3A_145 = arith.constant 0 : i32
    %dma_start3A_146 = arith.constant 128 : i32
    %dma_start3A_147 = tpu.memref_slice %arg6[%add3A_136, %dma_start3A_145, %dma_start3A_146] : memref<64x128x256xf32, #tpu.memory_space<hbm>> -> memref<1x128x128xf32, #tpu.memory_space<hbm>>
    %dma_start3A_148 = tpu.memref_squeeze %dma_start3A_147 : memref<1x128x128xf32, #tpu.memory_space<hbm>> -> memref<128x128xf32, #tpu.memory_space<hbm>>
    %dma_start3A_149 = arith.constant 0 : i32
    %dma_start3A_150 = arith.constant 128 : i32
    %dma_start3A_151 = tpu.memref_slice %arg6[%add3A_136, %dma_start3A_149, %dma_start3A_150] : memref<64x128x256xf32, #tpu.memory_space<hbm>> -> memref<1x128x128xf32, #tpu.memory_space<hbm>>
    %dma_start3A_152 = tpu.memref_squeeze %dma_start3A_151 : memref<1x128x128xf32, #tpu.memory_space<hbm>> -> memref<128x128xf32, #tpu.memory_space<hbm>>
    tpu.enqueue_dma source(%arg11 : memref<128x128xf32, #tpu.memory_space<vmem>>) target(%dma_start3A_152 : memref<128x128xf32, #tpu.memory_space<hbm>>) target_semaphore(%arg15 : memref<!tpu.dma_semaphore, #tpu.memory_space<semaphore_mem>>)
    %dma_wait3A_153 = arith.constant 1 : i32
    %dma_wait3A_154 = arith.constant 0 : i32
    %dma_wait3A_155 = tpu.memref_slice %arg7[%dma_wait3A_153, %dma_wait3A_154] : memref<2x128xi32, #tpu.memory_space<vmem>> -> memref<1x128xi32, #tpu.memory_space<vmem>>
    %dma_wait3A_156 = tpu.memref_squeeze %dma_wait3A_155 : memref<1x128xi32, #tpu.memory_space<vmem>> -> memref<128xi32, #tpu.memory_space<vmem>>
    %dma_wait3A_157 = arith.constant 0 : i32
    %dma_wait3A_158 = arith.constant 0 : i32
    %dma_wait3A_159 = tpu.memref_slice %arg4[%dma_wait3A_157, %dma_wait3A_158] : memref<100000x128xf32, #tpu.memory_space<hbm>> -> memref<100000x128xf32, #tpu.memory_space<hbm>>
    tpu.wait_indirect_dma semaphore(%arg14 : memref<!tpu.dma_semaphore, #tpu.memory_space<semaphore_mem>>) src(%dma_wait3A_159 : memref<100000x128xf32, #tpu.memory_space<hbm>>) dst(%arg10 : memref<128x128xf32, #tpu.memory_space<vmem>>)
    %dma_wait3A_160 = arith.constant 1 : i32
    %dma_wait3A_161 = arith.constant 0 : i32
    %dma_wait3A_162 = tpu.memref_slice %arg8[%dma_wait3A_160, %dma_wait3A_161] : memref<2x128xi32, #tpu.memory_space<vmem>> -> memref<1x128xi32, #tpu.memory_space<vmem>>
    %dma_wait3A_163 = tpu.memref_squeeze %dma_wait3A_162 : memref<1x128xi32, #tpu.memory_space<vmem>> -> memref<128xi32, #tpu.memory_space<vmem>>
    %dma_wait3A_164 = arith.constant 0 : i32
    %dma_wait3A_165 = arith.constant 0 : i32
    %dma_wait3A_166 = tpu.memref_slice %arg5[%dma_wait3A_164, %dma_wait3A_165] : memref<100000x128xf32, #tpu.memory_space<hbm>> -> memref<100000x128xf32, #tpu.memory_space<hbm>>
    tpu.wait_indirect_dma semaphore(%arg14 : memref<!tpu.dma_semaphore, #tpu.memory_space<semaphore_mem>>) src(%dma_wait3A_166 : memref<100000x128xf32, #tpu.memory_space<hbm>>) dst(%arg12 : memref<128x128xf32, #tpu.memory_space<vmem>>)
    %mul3A_167 = arith.constant 2 : i32
    %mul3A_168 = arith.muli %add3A, %mul3A_167 : i32
    %add3A_169 = arith.constant 1 : i32
    %add3A_170 = arith.addi %mul3A_168, %add3A_169 : i32
    %dma_start3A_171 = arith.constant 0 : i32
    %dma_start3A_172 = arith.constant 0 : i32
    %dma_start3A_173 = tpu.memref_slice %arg6[%add3A_170, %dma_start3A_171, %dma_start3A_172] : memref<64x128x256xf32, #tpu.memory_space<hbm>> -> memref<1x128x128xf32, #tpu.memory_space<hbm>>
    %dma_start3A_174 = tpu.memref_squeeze %dma_start3A_173 : memref<1x128x128xf32, #tpu.memory_space<hbm>> -> memref<128x128xf32, #tpu.memory_space<hbm>>
    %dma_start3A_175 = arith.constant 0 : i32
    %dma_start3A_176 = arith.constant 0 : i32
    %dma_start3A_177 = tpu.memref_slice %arg6[%add3A_170, %dma_start3A_175, %dma_start3A_176] : memref<64x128x256xf32, #tpu.memory_space<hbm>> -> memref<1x128x128xf32, #tpu.memory_space<hbm>>
    %dma_start3A_178 = tpu.memref_squeeze %dma_start3A_177 : memref<1x128x128xf32, #tpu.memory_space<hbm>> -> memref<128x128xf32, #tpu.memory_space<hbm>>
    tpu.enqueue_dma source(%arg10 : memref<128x128xf32, #tpu.memory_space<vmem>>) target(%dma_start3A_178 : memref<128x128xf32, #tpu.memory_space<hbm>>) target_semaphore(%arg16 : memref<!tpu.dma_semaphore, #tpu.memory_space<semaphore_mem>>)
    %dma_start3A_179 = arith.constant 0 : i32
    %dma_start3A_180 = arith.constant 128 : i32
    %dma_start3A_181 = tpu.memref_slice %arg6[%add3A_170, %dma_start3A_179, %dma_start3A_180] : memref<64x128x256xf32, #tpu.memory_space<hbm>> -> memref<1x128x128xf32, #tpu.memory_space<hbm>>
    %dma_start3A_182 = tpu.memref_squeeze %dma_start3A_181 : memref<1x128x128xf32, #tpu.memory_space<hbm>> -> memref<128x128xf32, #tpu.memory_space<hbm>>
    %dma_start3A_183 = arith.constant 0 : i32
    %dma_start3A_184 = arith.constant 128 : i32
    %dma_start3A_185 = tpu.memref_slice %arg6[%add3A_170, %dma_start3A_183, %dma_start3A_184] : memref<64x128x256xf32, #tpu.memory_space<hbm>> -> memref<1x128x128xf32, #tpu.memory_space<hbm>>
    %dma_start3A_186 = tpu.memref_squeeze %dma_start3A_185 : memref<1x128x128xf32, #tpu.memory_space<hbm>> -> memref<128x128xf32, #tpu.memory_space<hbm>>
    tpu.enqueue_dma source(%arg12 : memref<128x128xf32, #tpu.memory_space<vmem>>) target(%dma_start3A_186 : memref<128x128xf32, #tpu.memory_space<hbm>>) target_semaphore(%arg16 : memref<!tpu.dma_semaphore, #tpu.memory_space<semaphore_mem>>)
    %dma_wait3A_187 = arith.constant 0 : i32
    %dma_wait3A_188 = arith.constant 0 : i32
    %dma_wait3A_189 = tpu.memref_slice %arg6[%add3A_136, %dma_wait3A_187, %dma_wait3A_188] : memref<64x128x256xf32, #tpu.memory_space<hbm>> -> memref<1x128x128xf32, #tpu.memory_space<hbm>>
    %dma_wait3A_190 = tpu.memref_squeeze %dma_wait3A_189 : memref<1x128x128xf32, #tpu.memory_space<hbm>> -> memref<128x128xf32, #tpu.memory_space<hbm>>
    %dma_wait3A_191 = arith.constant 0 : i32
    %dma_wait3A_192 = arith.constant 0 : i32
    %dma_wait3A_193 = tpu.memref_slice %arg6[%add3A_136, %dma_wait3A_191, %dma_wait3A_192] : memref<64x128x256xf32, #tpu.memory_space<hbm>> -> memref<1x128x128xf32, #tpu.memory_space<hbm>>
    %dma_wait3A_194 = tpu.memref_squeeze %dma_wait3A_193 : memref<1x128x128xf32, #tpu.memory_space<hbm>> -> memref<128x128xf32, #tpu.memory_space<hbm>>
    tpu.wait_dma2 semaphore(%arg15 : memref<!tpu.dma_semaphore, #tpu.memory_space<semaphore_mem>>) src(%arg9 : memref<128x128xf32, #tpu.memory_space<vmem>>) dst(%dma_wait3A_194 : memref<128x128xf32, #tpu.memory_space<hbm>>)
    %dma_wait3A_195 = arith.constant 0 : i32
    %dma_wait3A_196 = arith.constant 128 : i32
    %dma_wait3A_197 = tpu.memref_slice %arg6[%add3A_136, %dma_wait3A_195, %dma_wait3A_196] : memref<64x128x256xf32, #tpu.memory_space<hbm>> -> memref<1x128x128xf32, #tpu.memory_space<hbm>>
    %dma_wait3A_198 = tpu.memref_squeeze %dma_wait3A_197 : memref<1x128x128xf32, #tpu.memory_space<hbm>> -> memref<128x128xf32, #tpu.memory_space<hbm>>
    %dma_wait3A_199 = arith.constant 0 : i32
    %dma_wait3A_200 = arith.constant 128 : i32
    %dma_wait3A_201 = tpu.memref_slice %arg6[%add3A_136, %dma_wait3A_199, %dma_wait3A_200] : memref<64x128x256xf32, #tpu.memory_space<hbm>> -> memref<1x128x128xf32, #tpu.memory_space<hbm>>
    %dma_wait3A_202 = tpu.memref_squeeze %dma_wait3A_201 : memref<1x128x128xf32, #tpu.memory_space<hbm>> -> memref<128x128xf32, #tpu.memory_space<hbm>>
    tpu.wait_dma2 semaphore(%arg15 : memref<!tpu.dma_semaphore, #tpu.memory_space<semaphore_mem>>) src(%arg11 : memref<128x128xf32, #tpu.memory_space<vmem>>) dst(%dma_wait3A_202 : memref<128x128xf32, #tpu.memory_space<hbm>>)
    %dma_wait3A_203 = arith.constant 0 : i32
    %dma_wait3A_204 = arith.constant 0 : i32
    %dma_wait3A_205 = tpu.memref_slice %arg6[%add3A_170, %dma_wait3A_203, %dma_wait3A_204] : memref<64x128x256xf32, #tpu.memory_space<hbm>> -> memref<1x128x128xf32, #tpu.memory_space<hbm>>
    %dma_wait3A_206 = tpu.memref_squeeze %dma_wait3A_205 : memref<1x128x128xf32, #tpu.memory_space<hbm>> -> memref<128x128xf32, #tpu.memory_space<hbm>>
    %dma_wait3A_207 = arith.constant 0 : i32
    %dma_wait3A_208 = arith.constant 0 : i32
    %dma_wait3A_209 = tpu.memref_slice %arg6[%add3A_170, %dma_wait3A_207, %dma_wait3A_208] : memref<64x128x256xf32, #tpu.memory_space<hbm>> -> memref<1x128x128xf32, #tpu.memory_space<hbm>>
    %dma_wait3A_210 = tpu.memref_squeeze %dma_wait3A_209 : memref<1x128x128xf32, #tpu.memory_space<hbm>> -> memref<128x128xf32, #tpu.memory_space<hbm>>
    tpu.wait_dma2 semaphore(%arg16 : memref<!tpu.dma_semaphore, #tpu.memory_space<semaphore_mem>>) src(%arg10 : memref<128x128xf32, #tpu.memory_space<vmem>>) dst(%dma_wait3A_210 : memref<128x128xf32, #tpu.memory_space<hbm>>)
    %dma_wait3A_211 = arith.constant 0 : i32
    %dma_wait3A_212 = arith.constant 128 : i32
    %dma_wait3A_213 = tpu.memref_slice %arg6[%add3A_170, %dma_wait3A_211, %dma_wait3A_212] : memref<64x128x256xf32, #tpu.memory_space<hbm>> -> memref<1x128x128xf32, #tpu.memory_space<hbm>>
    %dma_wait3A_214 = tpu.memref_squeeze %dma_wait3A_213 : memref<1x128x128xf32, #tpu.memory_space<hbm>> -> memref<128x128xf32, #tpu.memory_space<hbm>>
    %dma_wait3A_215 = arith.constant 0 : i32
    %dma_wait3A_216 = arith.constant 128 : i32
    %dma_wait3A_217 = tpu.memref_slice %arg6[%add3A_170, %dma_wait3A_215, %dma_wait3A_216] : memref<64x128x256xf32, #tpu.memory_space<hbm>> -> memref<1x128x128xf32, #tpu.memory_space<hbm>>
    %dma_wait3A_218 = tpu.memref_squeeze %dma_wait3A_217 : memref<1x128x128xf32, #tpu.memory_space<hbm>> -> memref<128x128xf32, #tpu.memory_space<hbm>>
    tpu.wait_dma2 semaphore(%arg16 : memref<!tpu.dma_semaphore, #tpu.memory_space<semaphore_mem>>) src(%arg12 : memref<128x128xf32, #tpu.memory_space<vmem>>) dst(%dma_wait3A_218 : memref<128x128xf32, #tpu.memory_space<hbm>>)
    return
  }
}

#map = affine_map<(d0, d1) -> (0, 0)>
#map1 = affine_map<(d0, d1) -> (0, 0, 0)>
module attributes {stable_mosaic.version = 14 : i64} {
  func.func @body(%arg0: i32, %arg1: i32, %arg2: memref<128x128xi32, #tpu.memory_space<hbm>>, %arg3: memref<128x128xi32, #tpu.memory_space<hbm>>, %arg4: memref<100000x128xf32, #tpu.memory_space<hbm>>, %arg5: memref<100000x128xf32, #tpu.memory_space<hbm>>, %arg6: memref<64x128x256xf32, #tpu.memory_space<hbm>>, %arg7: memref<2x128xi32, #tpu.memory_space<vmem>>, %arg8: memref<2x128xi32, #tpu.memory_space<vmem>>, %arg9: memref<128x128xf32, #tpu.memory_space<vmem>>, %arg10: memref<128x128xf32, #tpu.memory_space<vmem>>, %arg11: memref<128x128xf32, #tpu.memory_space<vmem>>, %arg12: memref<128x128xf32, #tpu.memory_space<vmem>>, %arg13: memref<!tpu.dma_semaphore, #tpu.memory_space<semaphore_mem>>, %arg14: memref<!tpu.dma_semaphore, #tpu.memory_space<semaphore_mem>>, %arg15: memref<!tpu.dma_semaphore, #tpu.memory_space<semaphore_mem>>, %arg16: memref<!tpu.dma_semaphore, #tpu.memory_space<semaphore_mem>>) attributes {dimension_semantics = [#tpu.dimension_semantics<core_parallel>, #tpu.dimension_semantics<subcore_parallel>], iteration_bounds = array<i64: 2, 16>, scalar_prefetch = 0 : i64, scratch_operands = 10 : i64, tpu.core_type = #tpu.core_type<sc_vector_subcore>, window_params = [{transform_indices = #map}, {transform_indices = #map}, {transform_indices = #map}, {transform_indices = #map}, {transform_indices = #map1}]} {
    %mul3A = arith.constant 2 : i32
    %mul3A_0 = arith.muli %arg1, %mul3A : i32
    %add3A = arith.addi %mul3A_0, %arg0 : i32
    %mul3A_1 = arith.constant 2 : i32
    %mul3A_2 = arith.muli %add3A, %mul3A_1 : i32
    %add3A_3 = arith.constant 64 : i32
    %add3A_4 = arith.addi %add3A_3, %mul3A_2 : i32
    %add3A_5 = arith.constant 0 : i32
    %add3A_6 = arith.addi %add3A_4, %add3A_5 : i32
    %dma_start3A = arith.constant 0 : i32
    %dma_start3A_7 = arith.constant 0 : i32
    %dma_start3A_8 = tpu.memref_slice %arg7[%dma_start3A, %dma_start3A_7] : memref<2x128xi32, #tpu.memory_space<vmem>> -> memref<1x128xi32, #tpu.memory_space<vmem>>
    %dma_start3A_9 = arith.constant 0 : i32
    %dma_start3A_10 = tpu.memref_slice %arg2[%add3A_6, %dma_start3A_9] : memref<128x128xi32, #tpu.memory_space<hbm>> -> memref<1x128xi32, #tpu.memory_space<hbm>>
    %dma_start3A_11 = arith.constant 0 : i32
    %dma_start3A_12 = arith.constant 0 : i32
    %dma_start3A_13 = tpu.memref_slice %arg7[%dma_start3A_11, %dma_start3A_12] : memref<2x128xi32, #tpu.memory_space<vmem>> -> memref<1x128xi32, #tpu.memory_space<vmem>>
    %dma_start3A_14 = arith.constant 0 : i32
    %dma_start3A_15 = tpu.memref_slice %arg2[%add3A_6, %dma_start3A_14] : memref<128x128xi32, #tpu.memory_space<hbm>> -> memref<1x128xi32, #tpu.memory_space<hbm>>
    tpu.enqueue_dma source(%dma_start3A_15 : memref<1x128xi32, #tpu.memory_space<hbm>>) target(%dma_start3A_13 : memref<1x128xi32, #tpu.memory_space<vmem>>) target_semaphore(%arg13 : memref<!tpu.dma_semaphore, #tpu.memory_space<semaphore_mem>>)
    %add3A_16 = arith.constant 0 : i32
    %add3A_17 = arith.addi %add3A_4, %add3A_16 : i32
    %dma_start3A_18 = arith.constant 0 : i32
    %dma_start3A_19 = arith.constant 0 : i32
    %dma_start3A_20 = tpu.memref_slice %arg8[%dma_start3A_18, %dma_start3A_19] : memref<2x128xi32, #tpu.memory_space<vmem>> -> memref<1x128xi32, #tpu.memory_space<vmem>>
    %dma_start3A_21 = arith.constant 0 : i32
    %dma_start3A_22 = tpu.memref_slice %arg3[%add3A_17, %dma_start3A_21] : memref<128x128xi32, #tpu.memory_space<hbm>> -> memref<1x128xi32, #tpu.memory_space<hbm>>
    %dma_start3A_23 = arith.constant 0 : i32
    %dma_start3A_24 = arith.constant 0 : i32
    %dma_start3A_25 = tpu.memref_slice %arg8[%dma_start3A_23, %dma_start3A_24] : memref<2x128xi32, #tpu.memory_space<vmem>> -> memref<1x128xi32, #tpu.memory_space<vmem>>
    %dma_start3A_26 = arith.constant 0 : i32
    %dma_start3A_27 = tpu.memref_slice %arg3[%add3A_17, %dma_start3A_26] : memref<128x128xi32, #tpu.memory_space<hbm>> -> memref<1x128xi32, #tpu.memory_space<hbm>>
    tpu.enqueue_dma source(%dma_start3A_27 : memref<1x128xi32, #tpu.memory_space<hbm>>) target(%dma_start3A_25 : memref<1x128xi32, #tpu.memory_space<vmem>>) target_semaphore(%arg14 : memref<!tpu.dma_semaphore, #tpu.memory_space<semaphore_mem>>)
    %add3A_28 = arith.constant 1 : i32
    %add3A_29 = arith.addi %add3A_4, %add3A_28 : i32
    %dma_start3A_30 = arith.constant 1 : i32
    %dma_start3A_31 = arith.constant 0 : i32
    %dma_start3A_32 = tpu.memref_slice %arg7[%dma_start3A_30, %dma_start3A_31] : memref<2x128xi32, #tpu.memory_space<vmem>> -> memref<1x128xi32, #tpu.memory_space<vmem>>
    %dma_start3A_33 = arith.constant 0 : i32
    %dma_start3A_34 = tpu.memref_slice %arg2[%add3A_29, %dma_start3A_33] : memref<128x128xi32, #tpu.memory_space<hbm>> -> memref<1x128xi32, #tpu.memory_space<hbm>>
    %dma_start3A_35 = arith.constant 1 : i32
    %dma_start3A_36 = arith.constant 0 : i32
    %dma_start3A_37 = tpu.memref_slice %arg7[%dma_start3A_35, %dma_start3A_36] : memref<2x128xi32, #tpu.memory_space<vmem>> -> memref<1x128xi32, #tpu.memory_space<vmem>>
    %dma_start3A_38 = arith.constant 0 : i32
    %dma_start3A_39 = tpu.memref_slice %arg2[%add3A_29, %dma_start3A_38] : memref<128x128xi32, #tpu.memory_space<hbm>> -> memref<1x128xi32, #tpu.memory_space<hbm>>
    tpu.enqueue_dma source(%dma_start3A_39 : memref<1x128xi32, #tpu.memory_space<hbm>>) target(%dma_start3A_37 : memref<1x128xi32, #tpu.memory_space<vmem>>) target_semaphore(%arg13 : memref<!tpu.dma_semaphore, #tpu.memory_space<semaphore_mem>>)
    %add3A_40 = arith.constant 1 : i32
    %add3A_41 = arith.addi %add3A_4, %add3A_40 : i32
    %dma_start3A_42 = arith.constant 1 : i32
    %dma_start3A_43 = arith.constant 0 : i32
    %dma_start3A_44 = tpu.memref_slice %arg8[%dma_start3A_42, %dma_start3A_43] : memref<2x128xi32, #tpu.memory_space<vmem>> -> memref<1x128xi32, #tpu.memory_space<vmem>>
    %dma_start3A_45 = arith.constant 0 : i32
    %dma_start3A_46 = tpu.memref_slice %arg3[%add3A_41, %dma_start3A_45] : memref<128x128xi32, #tpu.memory_space<hbm>> -> memref<1x128xi32, #tpu.memory_space<hbm>>
    %dma_start3A_47 = arith.constant 1 : i32
    %dma_start3A_48 = arith.constant 0 : i32
    %dma_start3A_49 = tpu.memref_slice %arg8[%dma_start3A_47, %dma_start3A_48] : memref<2x128xi32, #tpu.memory_space<vmem>> -> memref<1x128xi32, #tpu.memory_space<vmem>>
    %dma_start3A_50 = arith.constant 0 : i32
    %dma_start3A_51 = tpu.memref_slice %arg3[%add3A_41, %dma_start3A_50] : memref<128x128xi32, #tpu.memory_space<hbm>> -> memref<1x128xi32, #tpu.memory_space<hbm>>
    tpu.enqueue_dma source(%dma_start3A_51 : memref<1x128xi32, #tpu.memory_space<hbm>>) target(%dma_start3A_49 : memref<1x128xi32, #tpu.memory_space<vmem>>) target_semaphore(%arg14 : memref<!tpu.dma_semaphore, #tpu.memory_space<semaphore_mem>>)
    %dma_wait3A = arith.constant 0 : i32
    %dma_wait3A_52 = arith.constant 0 : i32
    %dma_wait3A_53 = tpu.memref_slice %arg7[%dma_wait3A, %dma_wait3A_52] : memref<2x128xi32, #tpu.memory_space<vmem>> -> memref<1x128xi32, #tpu.memory_space<vmem>>
    %dma_wait3A_54 = arith.constant 0 : i32
    %dma_wait3A_55 = tpu.memref_slice %arg2[%add3A_6, %dma_wait3A_54] : memref<128x128xi32, #tpu.memory_space<hbm>> -> memref<1x128xi32, #tpu.memory_space<hbm>>
    %dma_wait3A_56 = arith.constant 0 : i32
    %dma_wait3A_57 = arith.constant 0 : i32
    %dma_wait3A_58 = tpu.memref_slice %arg7[%dma_wait3A_56, %dma_wait3A_57] : memref<2x128xi32, #tpu.memory_space<vmem>> -> memref<1x128xi32, #tpu.memory_space<vmem>>
    %dma_wait3A_59 = arith.constant 0 : i32
    %dma_wait3A_60 = tpu.memref_slice %arg2[%add3A_6, %dma_wait3A_59] : memref<128x128xi32, #tpu.memory_space<hbm>> -> memref<1x128xi32, #tpu.memory_space<hbm>>
    tpu.wait_dma2 semaphore(%arg13 : memref<!tpu.dma_semaphore, #tpu.memory_space<semaphore_mem>>) src(%dma_wait3A_60 : memref<1x128xi32, #tpu.memory_space<hbm>>) dst(%dma_wait3A_58 : memref<1x128xi32, #tpu.memory_space<vmem>>)
    %dma_wait3A_61 = arith.constant 0 : i32
    %dma_wait3A_62 = arith.constant 0 : i32
    %dma_wait3A_63 = tpu.memref_slice %arg8[%dma_wait3A_61, %dma_wait3A_62] : memref<2x128xi32, #tpu.memory_space<vmem>> -> memref<1x128xi32, #tpu.memory_space<vmem>>
    %dma_wait3A_64 = arith.constant 0 : i32
    %dma_wait3A_65 = tpu.memref_slice %arg3[%add3A_17, %dma_wait3A_64] : memref<128x128xi32, #tpu.memory_space<hbm>> -> memref<1x128xi32, #tpu.memory_space<hbm>>
    %dma_wait3A_66 = arith.constant 0 : i32
    %dma_wait3A_67 = arith.constant 0 : i32
    %dma_wait3A_68 = tpu.memref_slice %arg8[%dma_wait3A_66, %dma_wait3A_67] : memref<2x128xi32, #tpu.memory_space<vmem>> -> memref<1x128xi32, #tpu.memory_space<vmem>>
    %dma_wait3A_69 = arith.constant 0 : i32
    %dma_wait3A_70 = tpu.memref_slice %arg3[%add3A_17, %dma_wait3A_69] : memref<128x128xi32, #tpu.memory_space<hbm>> -> memref<1x128xi32, #tpu.memory_space<hbm>>
    tpu.wait_dma2 semaphore(%arg14 : memref<!tpu.dma_semaphore, #tpu.memory_space<semaphore_mem>>) src(%dma_wait3A_70 : memref<1x128xi32, #tpu.memory_space<hbm>>) dst(%dma_wait3A_68 : memref<1x128xi32, #tpu.memory_space<vmem>>)
    %dma_wait3A_71 = arith.constant 1 : i32
    %dma_wait3A_72 = arith.constant 0 : i32
    %dma_wait3A_73 = tpu.memref_slice %arg7[%dma_wait3A_71, %dma_wait3A_72] : memref<2x128xi32, #tpu.memory_space<vmem>> -> memref<1x128xi32, #tpu.memory_space<vmem>>
    %dma_wait3A_74 = arith.constant 0 : i32
    %dma_wait3A_75 = tpu.memref_slice %arg2[%add3A_29, %dma_wait3A_74] : memref<128x128xi32, #tpu.memory_space<hbm>> -> memref<1x128xi32, #tpu.memory_space<hbm>>
    %dma_wait3A_76 = arith.constant 1 : i32
    %dma_wait3A_77 = arith.constant 0 : i32
    %dma_wait3A_78 = tpu.memref_slice %arg7[%dma_wait3A_76, %dma_wait3A_77] : memref<2x128xi32, #tpu.memory_space<vmem>> -> memref<1x128xi32, #tpu.memory_space<vmem>>
    %dma_wait3A_79 = arith.constant 0 : i32
    %dma_wait3A_80 = tpu.memref_slice %arg2[%add3A_29, %dma_wait3A_79] : memref<128x128xi32, #tpu.memory_space<hbm>> -> memref<1x128xi32, #tpu.memory_space<hbm>>
    tpu.wait_dma2 semaphore(%arg13 : memref<!tpu.dma_semaphore, #tpu.memory_space<semaphore_mem>>) src(%dma_wait3A_80 : memref<1x128xi32, #tpu.memory_space<hbm>>) dst(%dma_wait3A_78 : memref<1x128xi32, #tpu.memory_space<vmem>>)
    %dma_wait3A_81 = arith.constant 1 : i32
    %dma_wait3A_82 = arith.constant 0 : i32
    %dma_wait3A_83 = tpu.memref_slice %arg8[%dma_wait3A_81, %dma_wait3A_82] : memref<2x128xi32, #tpu.memory_space<vmem>> -> memref<1x128xi32, #tpu.memory_space<vmem>>
    %dma_wait3A_84 = arith.constant 0 : i32
    %dma_wait3A_85 = tpu.memref_slice %arg3[%add3A_41, %dma_wait3A_84] : memref<128x128xi32, #tpu.memory_space<hbm>> -> memref<1x128xi32, #tpu.memory_space<hbm>>
    %dma_wait3A_86 = arith.constant 1 : i32
    %dma_wait3A_87 = arith.constant 0 : i32
    %dma_wait3A_88 = tpu.memref_slice %arg8[%dma_wait3A_86, %dma_wait3A_87] : memref<2x128xi32, #tpu.memory_space<vmem>> -> memref<1x128xi32, #tpu.memory_space<vmem>>
    %dma_wait3A_89 = arith.constant 0 : i32
    %dma_wait3A_90 = tpu.memref_slice %arg3[%add3A_41, %dma_wait3A_89] : memref<128x128xi32, #tpu.memory_space<hbm>> -> memref<1x128xi32, #tpu.memory_space<hbm>>
    tpu.wait_dma2 semaphore(%arg14 : memref<!tpu.dma_semaphore, #tpu.memory_space<semaphore_mem>>) src(%dma_wait3A_90 : memref<1x128xi32, #tpu.memory_space<hbm>>) dst(%dma_wait3A_88 : memref<1x128xi32, #tpu.memory_space<vmem>>)
    %dma_start3A_91 = arith.constant 0 : i32
    %dma_start3A_92 = arith.constant 0 : i32
    %dma_start3A_93 = tpu.memref_slice %arg7[%dma_start3A_91, %dma_start3A_92] : memref<2x128xi32, #tpu.memory_space<vmem>> -> memref<1x128xi32, #tpu.memory_space<vmem>>
    %dma_start3A_94 = tpu.memref_squeeze %dma_start3A_93 : memref<1x128xi32, #tpu.memory_space<vmem>> -> memref<128xi32, #tpu.memory_space<vmem>>
    %dma_start3A_95 = arith.constant 0 : i32
    %dma_start3A_96 = arith.constant 0 : i32
    %dma_start3A_97 = tpu.memref_slice %arg4[%dma_start3A_95, %dma_start3A_96] : memref<100000x128xf32, #tpu.memory_space<hbm>> -> memref<100000x128xf32, #tpu.memory_space<hbm>>
    tpu.enqueue_indirect_dma source(%dma_start3A_97 : memref<100000x128xf32, #tpu.memory_space<hbm>>) target(%arg9 : memref<128x128xf32, #tpu.memory_space<vmem>>) offsets(%dma_start3A_94 : memref<128xi32, #tpu.memory_space<vmem>>) semaphore(%arg13 : memref<!tpu.dma_semaphore, #tpu.memory_space<semaphore_mem>>)
    %dma_start3A_98 = arith.constant 0 : i32
    %dma_start3A_99 = arith.constant 0 : i32
    %dma_start3A_100 = tpu.memref_slice %arg8[%dma_start3A_98, %dma_start3A_99] : memref<2x128xi32, #tpu.memory_space<vmem>> -> memref<1x128xi32, #tpu.memory_space<vmem>>
    %dma_start3A_101 = tpu.memref_squeeze %dma_start3A_100 : memref<1x128xi32, #tpu.memory_space<vmem>> -> memref<128xi32, #tpu.memory_space<vmem>>
    %dma_start3A_102 = arith.constant 0 : i32
    %dma_start3A_103 = arith.constant 0 : i32
    %dma_start3A_104 = tpu.memref_slice %arg5[%dma_start3A_102, %dma_start3A_103] : memref<100000x128xf32, #tpu.memory_space<hbm>> -> memref<100000x128xf32, #tpu.memory_space<hbm>>
    tpu.enqueue_indirect_dma source(%dma_start3A_104 : memref<100000x128xf32, #tpu.memory_space<hbm>>) target(%arg11 : memref<128x128xf32, #tpu.memory_space<vmem>>) offsets(%dma_start3A_101 : memref<128xi32, #tpu.memory_space<vmem>>) semaphore(%arg13 : memref<!tpu.dma_semaphore, #tpu.memory_space<semaphore_mem>>)
    %dma_start3A_105 = arith.constant 1 : i32
    %dma_start3A_106 = arith.constant 0 : i32
    %dma_start3A_107 = tpu.memref_slice %arg7[%dma_start3A_105, %dma_start3A_106] : memref<2x128xi32, #tpu.memory_space<vmem>> -> memref<1x128xi32, #tpu.memory_space<vmem>>
    %dma_start3A_108 = tpu.memref_squeeze %dma_start3A_107 : memref<1x128xi32, #tpu.memory_space<vmem>> -> memref<128xi32, #tpu.memory_space<vmem>>
    %dma_start3A_109 = arith.constant 0 : i32
    %dma_start3A_110 = arith.constant 0 : i32
    %dma_start3A_111 = tpu.memref_slice %arg4[%dma_start3A_109, %dma_start3A_110] : memref<100000x128xf32, #tpu.memory_space<hbm>> -> memref<100000x128xf32, #tpu.memory_space<hbm>>
    tpu.enqueue_indirect_dma source(%dma_start3A_111 : memref<100000x128xf32, #tpu.memory_space<hbm>>) target(%arg10 : memref<128x128xf32, #tpu.memory_space<vmem>>) offsets(%dma_start3A_108 : memref<128xi32, #tpu.memory_space<vmem>>) semaphore(%arg14 : memref<!tpu.dma_semaphore, #tpu.memory_space<semaphore_mem>>)
    %dma_start3A_112 = arith.constant 1 : i32
    %dma_start3A_113 = arith.constant 0 : i32
    %dma_start3A_114 = tpu.memref_slice %arg8[%dma_start3A_112, %dma_start3A_113] : memref<2x128xi32, #tpu.memory_space<vmem>> -> memref<1x128xi32, #tpu.memory_space<vmem>>
    %dma_start3A_115 = tpu.memref_squeeze %dma_start3A_114 : memref<1x128xi32, #tpu.memory_space<vmem>> -> memref<128xi32, #tpu.memory_space<vmem>>
    %dma_start3A_116 = arith.constant 0 : i32
    %dma_start3A_117 = arith.constant 0 : i32
    %dma_start3A_118 = tpu.memref_slice %arg5[%dma_start3A_116, %dma_start3A_117] : memref<100000x128xf32, #tpu.memory_space<hbm>> -> memref<100000x128xf32, #tpu.memory_space<hbm>>
    tpu.enqueue_indirect_dma source(%dma_start3A_118 : memref<100000x128xf32, #tpu.memory_space<hbm>>) target(%arg12 : memref<128x128xf32, #tpu.memory_space<vmem>>) offsets(%dma_start3A_115 : memref<128xi32, #tpu.memory_space<vmem>>) semaphore(%arg14 : memref<!tpu.dma_semaphore, #tpu.memory_space<semaphore_mem>>)
    %dma_wait3A_119 = arith.constant 0 : i32
    %dma_wait3A_120 = arith.constant 0 : i32
    %dma_wait3A_121 = tpu.memref_slice %arg7[%dma_wait3A_119, %dma_wait3A_120] : memref<2x128xi32, #tpu.memory_space<vmem>> -> memref<1x128xi32, #tpu.memory_space<vmem>>
    %dma_wait3A_122 = tpu.memref_squeeze %dma_wait3A_121 : memref<1x128xi32, #tpu.memory_space<vmem>> -> memref<128xi32, #tpu.memory_space<vmem>>
    %dma_wait3A_123 = arith.constant 0 : i32
    %dma_wait3A_124 = arith.constant 0 : i32
    %dma_wait3A_125 = tpu.memref_slice %arg4[%dma_wait3A_123, %dma_wait3A_124] : memref<100000x128xf32, #tpu.memory_space<hbm>> -> memref<100000x128xf32, #tpu.memory_space<hbm>>
    tpu.wait_indirect_dma semaphore(%arg13 : memref<!tpu.dma_semaphore, #tpu.memory_space<semaphore_mem>>) src(%dma_wait3A_125 : memref<100000x128xf32, #tpu.memory_space<hbm>>) dst(%arg9 : memref<128x128xf32, #tpu.memory_space<vmem>>)
    %dma_wait3A_126 = arith.constant 0 : i32
    %dma_wait3A_127 = arith.constant 0 : i32
    %dma_wait3A_128 = tpu.memref_slice %arg8[%dma_wait3A_126, %dma_wait3A_127] : memref<2x128xi32, #tpu.memory_space<vmem>> -> memref<1x128xi32, #tpu.memory_space<vmem>>
    %dma_wait3A_129 = tpu.memref_squeeze %dma_wait3A_128 : memref<1x128xi32, #tpu.memory_space<vmem>> -> memref<128xi32, #tpu.memory_space<vmem>>
    %dma_wait3A_130 = arith.constant 0 : i32
    %dma_wait3A_131 = arith.constant 0 : i32
    %dma_wait3A_132 = tpu.memref_slice %arg5[%dma_wait3A_130, %dma_wait3A_131] : memref<100000x128xf32, #tpu.memory_space<hbm>> -> memref<100000x128xf32, #tpu.memory_space<hbm>>
    tpu.wait_indirect_dma semaphore(%arg13 : memref<!tpu.dma_semaphore, #tpu.memory_space<semaphore_mem>>) src(%dma_wait3A_132 : memref<100000x128xf32, #tpu.memory_space<hbm>>) dst(%arg11 : memref<128x128xf32, #tpu.memory_space<vmem>>)
    %mul3A_133 = arith.constant 2 : i32
    %mul3A_134 = arith.muli %add3A, %mul3A_133 : i32
    %add3A_135 = arith.constant 0 : i32
    %add3A_136 = arith.addi %mul3A_134, %add3A_135 : i32
    %dma_start3A_137 = arith.constant 0 : i32
    %dma_start3A_138 = arith.constant 0 : i32
    %dma_start3A_139 = tpu.memref_slice %arg6[%add3A_136, %dma_start3A_137, %dma_start3A_138] : memref<64x128x256xf32, #tpu.memory_space<hbm>> -> memref<1x128x128xf32, #tpu.memory_space<hbm>>
    %dma_start3A_140 = tpu.memref_squeeze %dma_start3A_139 : memref<1x128x128xf32, #tpu.memory_space<hbm>> -> memref<128x128xf32, #tpu.memory_space<hbm>>
    %dma_start3A_141 = arith.constant 0 : i32
    %dma_start3A_142 = arith.constant 0 : i32
    %dma_start3A_143 = tpu.memref_slice %arg6[%add3A_136, %dma_start3A_141, %dma_start3A_142] : memref<64x128x256xf32, #tpu.memory_space<hbm>> -> memref<1x128x128xf32, #tpu.memory_space<hbm>>
    %dma_start3A_144 = tpu.memref_squeeze %dma_start3A_143 : memref<1x128x128xf32, #tpu.memory_space<hbm>> -> memref<128x128xf32, #tpu.memory_space<hbm>>
    tpu.enqueue_dma source(%arg9 : memref<128x128xf32, #tpu.memory_space<vmem>>) target(%dma_start3A_144 : memref<128x128xf32, #tpu.memory_space<hbm>>) target_semaphore(%arg15 : memref<!tpu.dma_semaphore, #tpu.memory_space<semaphore_mem>>)
    %dma_start3A_145 = arith.constant 0 : i32
    %dma_start3A_146 = arith.constant 128 : i32
    %dma_start3A_147 = tpu.memref_slice %arg6[%add3A_136, %dma_start3A_145, %dma_start3A_146] : memref<64x128x256xf32, #tpu.memory_space<hbm>> -> memref<1x128x128xf32, #tpu.memory_space<hbm>>
    %dma_start3A_148 = tpu.memref_squeeze %dma_start3A_147 : memref<1x128x128xf32, #tpu.memory_space<hbm>> -> memref<128x128xf32, #tpu.memory_space<hbm>>
    %dma_start3A_149 = arith.constant 0 : i32
    %dma_start3A_150 = arith.constant 128 : i32
    %dma_start3A_151 = tpu.memref_slice %arg6[%add3A_136, %dma_start3A_149, %dma_start3A_150] : memref<64x128x256xf32, #tpu.memory_space<hbm>> -> memref<1x128x128xf32, #tpu.memory_space<hbm>>
    %dma_start3A_152 = tpu.memref_squeeze %dma_start3A_151 : memref<1x128x128xf32, #tpu.memory_space<hbm>> -> memref<128x128xf32, #tpu.memory_space<hbm>>
    tpu.enqueue_dma source(%arg11 : memref<128x128xf32, #tpu.memory_space<vmem>>) target(%dma_start3A_152 : memref<128x128xf32, #tpu.memory_space<hbm>>) target_semaphore(%arg15 : memref<!tpu.dma_semaphore, #tpu.memory_space<semaphore_mem>>)
    %dma_wait3A_153 = arith.constant 1 : i32
    %dma_wait3A_154 = arith.constant 0 : i32
    %dma_wait3A_155 = tpu.memref_slice %arg7[%dma_wait3A_153, %dma_wait3A_154] : memref<2x128xi32, #tpu.memory_space<vmem>> -> memref<1x128xi32, #tpu.memory_space<vmem>>
    %dma_wait3A_156 = tpu.memref_squeeze %dma_wait3A_155 : memref<1x128xi32, #tpu.memory_space<vmem>> -> memref<128xi32, #tpu.memory_space<vmem>>
    %dma_wait3A_157 = arith.constant 0 : i32
    %dma_wait3A_158 = arith.constant 0 : i32
    %dma_wait3A_159 = tpu.memref_slice %arg4[%dma_wait3A_157, %dma_wait3A_158] : memref<100000x128xf32, #tpu.memory_space<hbm>> -> memref<100000x128xf32, #tpu.memory_space<hbm>>
    tpu.wait_indirect_dma semaphore(%arg14 : memref<!tpu.dma_semaphore, #tpu.memory_space<semaphore_mem>>) src(%dma_wait3A_159 : memref<100000x128xf32, #tpu.memory_space<hbm>>) dst(%arg10 : memref<128x128xf32, #tpu.memory_space<vmem>>)
    %dma_wait3A_160 = arith.constant 1 : i32
    %dma_wait3A_161 = arith.constant 0 : i32
    %dma_wait3A_162 = tpu.memref_slice %arg8[%dma_wait3A_160, %dma_wait3A_161] : memref<2x128xi32, #tpu.memory_space<vmem>> -> memref<1x128xi32, #tpu.memory_space<vmem>>
    %dma_wait3A_163 = tpu.memref_squeeze %dma_wait3A_162 : memref<1x128xi32, #tpu.memory_space<vmem>> -> memref<128xi32, #tpu.memory_space<vmem>>
    %dma_wait3A_164 = arith.constant 0 : i32
    %dma_wait3A_165 = arith.constant 0 : i32
    %dma_wait3A_166 = tpu.memref_slice %arg5[%dma_wait3A_164, %dma_wait3A_165] : memref<100000x128xf32, #tpu.memory_space<hbm>> -> memref<100000x128xf32, #tpu.memory_space<hbm>>
    tpu.wait_indirect_dma semaphore(%arg14 : memref<!tpu.dma_semaphore, #tpu.memory_space<semaphore_mem>>) src(%dma_wait3A_166 : memref<100000x128xf32, #tpu.memory_space<hbm>>) dst(%arg12 : memref<128x128xf32, #tpu.memory_space<vmem>>)
    %mul3A_167 = arith.constant 2 : i32
    %mul3A_168 = arith.muli %add3A, %mul3A_167 : i32
    %add3A_169 = arith.constant 1 : i32
    %add3A_170 = arith.addi %mul3A_168, %add3A_169 : i32
    %dma_start3A_171 = arith.constant 0 : i32
    %dma_start3A_172 = arith.constant 0 : i32
    %dma_start3A_173 = tpu.memref_slice %arg6[%add3A_170, %dma_start3A_171, %dma_start3A_172] : memref<64x128x256xf32, #tpu.memory_space<hbm>> -> memref<1x128x128xf32, #tpu.memory_space<hbm>>
    %dma_start3A_174 = tpu.memref_squeeze %dma_start3A_173 : memref<1x128x128xf32, #tpu.memory_space<hbm>> -> memref<128x128xf32, #tpu.memory_space<hbm>>
    %dma_start3A_175 = arith.constant 0 : i32
    %dma_start3A_176 = arith.constant 0 : i32
    %dma_start3A_177 = tpu.memref_slice %arg6[%add3A_170, %dma_start3A_175, %dma_start3A_176] : memref<64x128x256xf32, #tpu.memory_space<hbm>> -> memref<1x128x128xf32, #tpu.memory_space<hbm>>
    %dma_start3A_178 = tpu.memref_squeeze %dma_start3A_177 : memref<1x128x128xf32, #tpu.memory_space<hbm>> -> memref<128x128xf32, #tpu.memory_space<hbm>>
    tpu.enqueue_dma source(%arg10 : memref<128x128xf32, #tpu.memory_space<vmem>>) target(%dma_start3A_178 : memref<128x128xf32, #tpu.memory_space<hbm>>) target_semaphore(%arg16 : memref<!tpu.dma_semaphore, #tpu.memory_space<semaphore_mem>>)
    %dma_start3A_179 = arith.constant 0 : i32
    %dma_start3A_180 = arith.constant 128 : i32
    %dma_start3A_181 = tpu.memref_slice %arg6[%add3A_170, %dma_start3A_179, %dma_start3A_180] : memref<64x128x256xf32, #tpu.memory_space<hbm>> -> memref<1x128x128xf32, #tpu.memory_space<hbm>>
    %dma_start3A_182 = tpu.memref_squeeze %dma_start3A_181 : memref<1x128x128xf32, #tpu.memory_space<hbm>> -> memref<128x128xf32, #tpu.memory_space<hbm>>
    %dma_start3A_183 = arith.constant 0 : i32
    %dma_start3A_184 = arith.constant 128 : i32
    %dma_start3A_185 = tpu.memref_slice %arg6[%add3A_170, %dma_start3A_183, %dma_start3A_184] : memref<64x128x256xf32, #tpu.memory_space<hbm>> -> memref<1x128x128xf32, #tpu.memory_space<hbm>>
    %dma_start3A_186 = tpu.memref_squeeze %dma_start3A_185 : memref<1x128x128xf32, #tpu.memory_space<hbm>> -> memref<128x128xf32, #tpu.memory_space<hbm>>
    tpu.enqueue_dma source(%arg12 : memref<128x128xf32, #tpu.memory_space<vmem>>) target(%dma_start3A_186 : memref<128x128xf32, #tpu.memory_space<hbm>>) target_semaphore(%arg16 : memref<!tpu.dma_semaphore, #tpu.memory_space<semaphore_mem>>)
    %dma_wait3A_187 = arith.constant 0 : i32
    %dma_wait3A_188 = arith.constant 0 : i32
    %dma_wait3A_189 = tpu.memref_slice %arg6[%add3A_136, %dma_wait3A_187, %dma_wait3A_188] : memref<64x128x256xf32, #tpu.memory_space<hbm>> -> memref<1x128x128xf32, #tpu.memory_space<hbm>>
    %dma_wait3A_190 = tpu.memref_squeeze %dma_wait3A_189 : memref<1x128x128xf32, #tpu.memory_space<hbm>> -> memref<128x128xf32, #tpu.memory_space<hbm>>
    %dma_wait3A_191 = arith.constant 0 : i32
    %dma_wait3A_192 = arith.constant 0 : i32
    %dma_wait3A_193 = tpu.memref_slice %arg6[%add3A_136, %dma_wait3A_191, %dma_wait3A_192] : memref<64x128x256xf32, #tpu.memory_space<hbm>> -> memref<1x128x128xf32, #tpu.memory_space<hbm>>
    %dma_wait3A_194 = tpu.memref_squeeze %dma_wait3A_193 : memref<1x128x128xf32, #tpu.memory_space<hbm>> -> memref<128x128xf32, #tpu.memory_space<hbm>>
    tpu.wait_dma2 semaphore(%arg15 : memref<!tpu.dma_semaphore, #tpu.memory_space<semaphore_mem>>) src(%arg9 : memref<128x128xf32, #tpu.memory_space<vmem>>) dst(%dma_wait3A_194 : memref<128x128xf32, #tpu.memory_space<hbm>>)
    %dma_wait3A_195 = arith.constant 0 : i32
    %dma_wait3A_196 = arith.constant 128 : i32
    %dma_wait3A_197 = tpu.memref_slice %arg6[%add3A_136, %dma_wait3A_195, %dma_wait3A_196] : memref<64x128x256xf32, #tpu.memory_space<hbm>> -> memref<1x128x128xf32, #tpu.memory_space<hbm>>
    %dma_wait3A_198 = tpu.memref_squeeze %dma_wait3A_197 : memref<1x128x128xf32, #tpu.memory_space<hbm>> -> memref<128x128xf32, #tpu.memory_space<hbm>>
    %dma_wait3A_199 = arith.constant 0 : i32
    %dma_wait3A_200 = arith.constant 128 : i32
    %dma_wait3A_201 = tpu.memref_slice %arg6[%add3A_136, %dma_wait3A_199, %dma_wait3A_200] : memref<64x128x256xf32, #tpu.memory_space<hbm>> -> memref<1x128x128xf32, #tpu.memory_space<hbm>>
    %dma_wait3A_202 = tpu.memref_squeeze %dma_wait3A_201 : memref<1x128x128xf32, #tpu.memory_space<hbm>> -> memref<128x128xf32, #tpu.memory_space<hbm>>
    tpu.wait_dma2 semaphore(%arg15 : memref<!tpu.dma_semaphore, #tpu.memory_space<semaphore_mem>>) src(%arg11 : memref<128x128xf32, #tpu.memory_space<vmem>>) dst(%dma_wait3A_202 : memref<128x128xf32, #tpu.memory_space<hbm>>)
    %dma_wait3A_203 = arith.constant 0 : i32
    %dma_wait3A_204 = arith.constant 0 : i32
    %dma_wait3A_205 = tpu.memref_slice %arg6[%add3A_170, %dma_wait3A_203, %dma_wait3A_204] : memref<64x128x256xf32, #tpu.memory_space<hbm>> -> memref<1x128x128xf32, #tpu.memory_space<hbm>>
    %dma_wait3A_206 = tpu.memref_squeeze %dma_wait3A_205 : memref<1x128x128xf32, #tpu.memory_space<hbm>> -> memref<128x128xf32, #tpu.memory_space<hbm>>
    %dma_wait3A_207 = arith.constant 0 : i32
    %dma_wait3A_208 = arith.constant 0 : i32
    %dma_wait3A_209 = tpu.memref_slice %arg6[%add3A_170, %dma_wait3A_207, %dma_wait3A_208] : memref<64x128x256xf32, #tpu.memory_space<hbm>> -> memref<1x128x128xf32, #tpu.memory_space<hbm>>
    %dma_wait3A_210 = tpu.memref_squeeze %dma_wait3A_209 : memref<1x128x128xf32, #tpu.memory_space<hbm>> -> memref<128x128xf32, #tpu.memory_space<hbm>>
    tpu.wait_dma2 semaphore(%arg16 : memref<!tpu.dma_semaphore, #tpu.memory_space<semaphore_mem>>) src(%arg10 : memref<128x128xf32, #tpu.memory_space<vmem>>) dst(%dma_wait3A_210 : memref<128x128xf32, #tpu.memory_space<hbm>>)
    %dma_wait3A_211 = arith.constant 0 : i32
    %dma_wait3A_212 = arith.constant 128 : i32
    %dma_wait3A_213 = tpu.memref_slice %arg6[%add3A_170, %dma_wait3A_211, %dma_wait3A_212] : memref<64x128x256xf32, #tpu.memory_space<hbm>> -> memref<1x128x128xf32, #tpu.memory_space<hbm>>
    %dma_wait3A_214 = tpu.memref_squeeze %dma_wait3A_213 : memref<1x128x128xf32, #tpu.memory_space<hbm>> -> memref<128x128xf32, #tpu.memory_space<hbm>>
    %dma_wait3A_215 = arith.constant 0 : i32
    %dma_wait3A_216 = arith.constant 128 : i32
    %dma_wait3A_217 = tpu.memref_slice %arg6[%add3A_170, %dma_wait3A_215, %dma_wait3A_216] : memref<64x128x256xf32, #tpu.memory_space<hbm>> -> memref<1x128x128xf32, #tpu.memory_space<hbm>>
    %dma_wait3A_218 = tpu.memref_squeeze %dma_wait3A_217 : memref<1x128x128xf32, #tpu.memory_space<hbm>> -> memref<128x128xf32, #tpu.memory_space<hbm>>
    tpu.wait_dma2 semaphore(%arg16 : memref<!tpu.dma_semaphore, #tpu.memory_space<semaphore_mem>>) src(%arg12 : memref<128x128xf32, #tpu.memory_space<vmem>>) dst(%dma_wait3A_218 : memref<128x128xf32, #tpu.memory_space<hbm>>)
    return
  }
}

module attributes {stable_mosaic.version = 14 : i64} {
  func.func @_mlp_body(%arg0: i32, %arg1: memref<32x128x256xf32, #tpu.memory_space<vmem>>, %arg2: memref<256x256xf32, #tpu.memory_space<vmem>>, %arg3: memref<1x256xf32, #tpu.memory_space<vmem>>, %arg4: memref<128x256xf32, #tpu.memory_space<vmem>>, %arg5: memref<1x128xf32, #tpu.memory_space<vmem>>, %arg6: memref<64x128xf32, #tpu.memory_space<vmem>>, %arg7: memref<1x64xf32, #tpu.memory_space<vmem>>, %arg8: memref<64x1xf32, #tpu.memory_space<vmem>>, %arg9: memref<1x1xf32, #tpu.memory_space<vmem>>, %arg10: memref<4096x1xf32, #tpu.memory_space<vmem>>) attributes {dimension_semantics = [#tpu.dimension_semantics<arbitrary>], iteration_bounds = array<i64: 2>, scalar_prefetch = 0 : i64, scratch_operands = 0 : i64, tpu.core_type = #tpu.core_type<tc>, window_params = [{transform_indices = @transform_0, window_bounds = array<i64: 32, 128, 256>}, {pipeline_mode = #tpu.pipeline_mode<synchronous>, transform_indices = @transform_1, window_bounds = array<i64: 256, 256>}, {pipeline_mode = #tpu.pipeline_mode<synchronous>, transform_indices = @transform_2, window_bounds = array<i64: 1, 256>}, {pipeline_mode = #tpu.pipeline_mode<synchronous>, transform_indices = @transform_3, window_bounds = array<i64: 128, 256>}, {pipeline_mode = #tpu.pipeline_mode<synchronous>, transform_indices = @transform_4, window_bounds = array<i64: 1, 128>}, {pipeline_mode = #tpu.pipeline_mode<synchronous>, transform_indices = @transform_5, window_bounds = array<i64: 64, 128>}, {pipeline_mode = #tpu.pipeline_mode<synchronous>, transform_indices = @transform_6, window_bounds = array<i64: 1, 64>}, {pipeline_mode = #tpu.pipeline_mode<synchronous>, transform_indices = @transform_7, window_bounds = array<i64: 64, 1>}, {pipeline_mode = #tpu.pipeline_mode<synchronous>, transform_indices = @transform_8, window_bounds = array<i64: 1, 1>}, {transform_indices = @transform_9, window_bounds = array<i64: 4096, 1>}]} {
    %get3A = arith.constant 0 : index
    %get3A_0 = arith.constant 0 : index
    %get3A_1 = arith.constant 0 : index
    %get3A_2 = vector.load %arg1[%get3A, %get3A_0, %get3A_1] : memref<32x128x256xf32, #tpu.memory_space<vmem>>, vector<32x128x256xf32>
    %reshape3A = vector.shape_cast %get3A_2 : vector<32x128x256xf32> to vector<4096x256xf32>
    %get3A_3 = arith.constant 0 : index
    %get3A_4 = arith.constant 0 : index
    %get3A_5 = vector.load %arg2[%get3A_3, %get3A_4] : memref<256x256xf32, #tpu.memory_space<vmem>>, vector<256x256xf32>
    %dot_general3A = arith.constant dense<0.000000e+00> : vector<4096x256xf32>
    %dot_general3A_6 = tpu.matmul %reshape3A, %get3A_5, %dot_general3A {dimension_numbers = #tpu.dot_dimension_numbers<[1], [1], [0], [0], [0, 0, 1, 0], [], []>, transpose_lhs_hint = false} : vector<4096x256xf32>, vector<256x256xf32>, vector<4096x256xf32> -> vector<4096x256xf32>
    %get3A_7 = arith.constant 0 : index
    %get3A_8 = arith.constant 0 : index
    %get3A_9 = vector.load %arg3[%get3A_7, %get3A_8] : memref<1x256xf32, #tpu.memory_space<vmem>>, vector<1x256xf32>
    %add3A = vector.broadcast %get3A_9 : vector<1x256xf32> to vector<4096x256xf32>
    %add3A_10 = arith.addf %dot_general3A_6, %add3A : vector<4096x256xf32>
    %max3A = arith.constant 0.000000e+00 : f32
    %max3A_11 = vector.broadcast %max3A : f32 to vector<4096x256xf32>
    %max3A_12 = arith.maximumf %add3A_10, %max3A_11 : vector<4096x256xf32>
    %get3A_13 = arith.constant 0 : index
    %get3A_14 = arith.constant 0 : index
    %get3A_15 = vector.load %arg4[%get3A_13, %get3A_14] : memref<128x256xf32, #tpu.memory_space<vmem>>, vector<128x256xf32>
    %dot_general3A_16 = arith.constant dense<0.000000e+00> : vector<4096x128xf32>
    %dot_general3A_17 = tpu.matmul %max3A_12, %get3A_15, %dot_general3A_16 {dimension_numbers = #tpu.dot_dimension_numbers<[1], [1], [0], [0], [0, 0, 1, 0], [], []>, transpose_lhs_hint = false} : vector<4096x256xf32>, vector<128x256xf32>, vector<4096x128xf32> -> vector<4096x128xf32>
    %get3A_18 = arith.constant 0 : index
    %get3A_19 = arith.constant 0 : index
    %get3A_20 = vector.load %arg5[%get3A_18, %get3A_19] : memref<1x128xf32, #tpu.memory_space<vmem>>, vector<1x128xf32>
    %add3A_21 = vector.broadcast %get3A_20 : vector<1x128xf32> to vector<4096x128xf32>
    %add3A_22 = arith.addf %dot_general3A_17, %add3A_21 : vector<4096x128xf32>
    %max3A_23 = arith.constant 0.000000e+00 : f32
    %max3A_24 = vector.broadcast %max3A_23 : f32 to vector<4096x128xf32>
    %max3A_25 = arith.maximumf %add3A_22, %max3A_24 : vector<4096x128xf32>
    %get3A_26 = arith.constant 0 : index
    %get3A_27 = arith.constant 0 : index
    %get3A_28 = vector.load %arg6[%get3A_26, %get3A_27] : memref<64x128xf32, #tpu.memory_space<vmem>>, vector<64x128xf32>
    %dot_general3A_29 = arith.constant dense<0.000000e+00> : vector<4096x64xf32>
    %dot_general3A_30 = tpu.matmul %max3A_25, %get3A_28, %dot_general3A_29 {dimension_numbers = #tpu.dot_dimension_numbers<[1], [1], [0], [0], [0, 0, 1, 0], [], []>, transpose_lhs_hint = false} : vector<4096x128xf32>, vector<64x128xf32>, vector<4096x64xf32> -> vector<4096x64xf32>
    %get3A_31 = arith.constant 0 : index
    %get3A_32 = arith.constant 0 : index
    %get3A_33 = vector.load %arg7[%get3A_31, %get3A_32] : memref<1x64xf32, #tpu.memory_space<vmem>>, vector<1x64xf32>
    %add3A_34 = vector.broadcast %get3A_33 : vector<1x64xf32> to vector<4096x64xf32>
    %add3A_35 = arith.addf %dot_general3A_30, %add3A_34 : vector<4096x64xf32>
    %max3A_36 = arith.constant 0.000000e+00 : f32
    %max3A_37 = vector.broadcast %max3A_36 : f32 to vector<4096x64xf32>
    %max3A_38 = arith.maximumf %add3A_35, %max3A_37 : vector<4096x64xf32>
    %get3A_39 = arith.constant 0 : index
    %get3A_40 = arith.constant 0 : index
    %get3A_41 = vector.load %arg8[%get3A_39, %get3A_40] : memref<64x1xf32, #tpu.memory_space<vmem>>, vector<64x1xf32>
    %dot_general3A_42 = arith.constant dense<0.000000e+00> : vector<4096x1xf32>
    %dot_general3A_43 = tpu.matmul %max3A_38, %get3A_41, %dot_general3A_42 {dimension_numbers = #tpu.dot_dimension_numbers<[1], [0], [0], [1], [0, 0, 1, 1], [], []>, transpose_lhs_hint = false} : vector<4096x64xf32>, vector<64x1xf32>, vector<4096x1xf32> -> vector<4096x1xf32>
    %get3A_44 = arith.constant 0 : index
    %get3A_45 = arith.constant 0 : index
    %get3A_46 = vector.load %arg9[%get3A_44, %get3A_45] : memref<1x1xf32, #tpu.memory_space<vmem>>, vector<1x1xf32>
    %add3A_47 = vector.broadcast %get3A_46 : vector<1x1xf32> to vector<4096x1xf32>
    %add3A_48 = arith.addf %dot_general3A_43, %add3A_47 : vector<4096x1xf32>
    %max3A_49 = arith.constant 0.000000e+00 : f32
    %max3A_50 = vector.broadcast %max3A_49 : f32 to vector<4096x1xf32>
    %max3A_51 = arith.maximumf %add3A_48, %max3A_50 : vector<4096x1xf32>
    %neg3A = arith.constant 0.000000e+00 : f32
    %neg3A_52 = vector.broadcast %neg3A : f32 to vector<4096x1xf32>
    %neg3A_53 = arith.subf %neg3A_52, %max3A_51 : vector<4096x1xf32>
    %exp3A = math.exp %neg3A_53 : vector<4096x1xf32>
    %add3A_54 = arith.constant 1.000000e+00 : f32
    %add3A_55 = vector.broadcast %add3A_54 : f32 to vector<4096x1xf32>
    %add3A_56 = arith.addf %add3A_55, %exp3A : vector<4096x1xf32>
    %div3A = arith.constant 1.000000e+00 : f32
    %div3A_57 = vector.broadcast %div3A : f32 to vector<4096x1xf32>
    %div3A_58 = arith.divf %div3A_57, %add3A_56 : vector<4096x1xf32>
    %swap3A = arith.constant 0 : index
    %swap3A_59 = arith.constant 0 : index
    %swap3A_60 = vector.load %arg10[%swap3A, %swap3A_59] : memref<4096x1xf32, #tpu.memory_space<vmem>>, vector<4096x1xf32>
    tpu.vector_store %arg10[%swap3A, %swap3A_59], %div3A_58 {strides = array<i32>} : memref<4096x1xf32, #tpu.memory_space<vmem>>, vector<4096x1xf32>,
    return
  }
  func.func @transform_0(%arg0: i32) -> (i32, i32, i32) {
    %c0_i32 = arith.constant 0 : i32
    %c0_i32_0 = arith.constant 0 : i32
    %c0_i32_1 = arith.constant 0 : i32
    return %arg0, %c0_i32, %c0_i32_0 : i32, i32, i32
  }
  func.func @transform_1(%arg0: i32) -> (i32, i32) {
    %c0_i32 = arith.constant 0 : i32
    %c0_i32_0 = arith.constant 0 : i32
    %c0_i32_1 = arith.constant 0 : i32
    return %c0_i32, %c0_i32_0 : i32, i32
  }
  func.func @transform_2(%arg0: i32) -> (i32, i32) {
    %c0_i32 = arith.constant 0 : i32
    %c0_i32_0 = arith.constant 0 : i32
    %c0_i32_1 = arith.constant 0 : i32
    return %c0_i32, %c0_i32_0 : i32, i32
  }
  func.func @transform_3(%arg0: i32) -> (i32, i32) {
    %c0_i32 = arith.constant 0 : i32
    %c0_i32_0 = arith.constant 0 : i32
    %c0_i32_1 = arith.constant 0 : i32
    return %c0_i32, %c0_i32_0 : i32, i32
  }
  func.func @transform_4(%arg0: i32) -> (i32, i32) {
    %c0_i32 = arith.constant 0 : i32
    %c0_i32_0 = arith.constant 0 : i32
    %c0_i32_1 = arith.constant 0 : i32
    return %c0_i32, %c0_i32_0 : i32, i32
  }
  func.func @transform_5(%arg0: i32) -> (i32, i32) {
    %c0_i32 = arith.constant 0 : i32
    %c0_i32_0 = arith.constant 0 : i32
    %c0_i32_1 = arith.constant 0 : i32
    return %c0_i32, %c0_i32_0 : i32, i32
  }
  func.func @transform_6(%arg0: i32) -> (i32, i32) {
    %c0_i32 = arith.constant 0 : i32
    %c0_i32_0 = arith.constant 0 : i32
    %c0_i32_1 = arith.constant 0 : i32
    return %c0_i32, %c0_i32_0 : i32, i32
  }
  func.func @transform_7(%arg0: i32) -> (i32, i32) {
    %c0_i32 = arith.constant 0 : i32
    %c0_i32_0 = arith.constant 0 : i32
    %c0_i32_1 = arith.constant 0 : i32
    return %c0_i32, %c0_i32_0 : i32, i32
  }
  func.func @transform_8(%arg0: i32) -> (i32, i32) {
    %c0_i32 = arith.constant 0 : i32
    %c0_i32_0 = arith.constant 0 : i32
    %c0_i32_1 = arith.constant 0 : i32
    return %c0_i32, %c0_i32_0 : i32, i32
  }
  func.func @transform_9(%arg0: i32) -> (i32, i32) {
    %c0_i32 = arith.constant 0 : i32
    %c0_i32_0 = arith.constant 0 : i32
    return %arg0, %c0_i32 : i32, i32
  }
}

</mosaic_0001>

<sc_bundles>
// kernel: kernel.6.cloned.1.call-start
scs
__scs_entry_jumppad:
0x0: {  	(pc) =	sbr.rel $0x88, $3  }
0x1: {  	(tag) =	ssettag $0x0;
	lr =	simm.s32 $0x1  }
0x2: {  	[smem:$0x3F95] =	sst lr;
	_ =	strace $0xD0000000  }
0x3: {  	_ = 	snop  }
0x4: {  	_ = 	snop  }
0x5: {  	_ = 	snop  }
0x6: {  	_ = 	snop  }
0x7: {  	_ = 	snop  }
__scs_overlays_trampoline_lowered:
0x8: {  	[smem:$0x3FA4] =	sst s0  }
0x9: {  	[smem:$0x3FA5] =	sst s1  }
0xa: {  	[smem:$0x3FA6] =	sst s2  }
0xb: {  	[smem:$0x3FA7] =	sst s3  }
0xc: {  	[smem:$0x3FA8] =	sst s4  }
0xd: {  	[smem:$0x3FA9] =	sst s5  }
0xe: {  	[smem:$0x3FAA] =	sst s6  }
0xf: {  	[smem:$0x3FAB] =	sst s7  }
0x10: {  	[smem:$0x3FAC] =	sst s8  }
0x11: {  	[smem:$0x3FAD] =	sst s9;
	s0 =	simm.s32 @!p0 $0x0  }
0x12: {  	s1 =	sld [smem:$0x3F93];
	s0 =	simm.s32 @p0 $0x1  }
0x13: {  	[smem:$0x3FAE] =	sst s0;
	s0 =	simm.s32 @!p1 $0x0  }
0x14: {  	s2 =	sld [smem:$0x3F92];
	s0 =	simm.s32 @p1 $0x1  }
0x15: {  	[smem:$0x3FAF] =	sst s0;
	s0 =	simm.s32 @!p2 $0x0  }
0x16: {  	s3 =	sld [smem:$0x3FDB];
	s0 =	simm.s32 @p2 $0x1  }
0x17: {  	s4 =	simm.s32 $0x1BF5;
	[smem:$0x3FB1] =	sst s0  }
0x18: {  	s0 =	sld [smem:$0x3F94];
	_ =	swait.ge [sflag:s4], $0x0  }
0x19: {  	s7 =	sld [smem:$0x3F95]  }
0x1a: {  	s8 =	sadd.s32 $0xFFFFE003, lr  }
0x1b: {  	s9 =	sadd.s32 $0xFFFFFEF7, lr;
	s5 =	simm.s32 $0xFFFFFFFF;
	p2 =	slt.u32 s8, $0xFFFFF086  }
0x1c: {  	p1 =	slt.u32 s9, $0xF7A;
	s5 =	simm.s32 @!p2 $0x0  }
0x1d: {  	s5 =	simm.s32 @p1 $0x1;
	p0 =	seq.s32 s7, s2  }
0x1e: {  	s7 =	smul.u32 @!p0 $0xF7A, s2;
	p2 =	seq.s32 @!p0 s5, $0x0  }
0x1f: {  	s9 =	smul.u32 $0xF7A, s1;
	s8 =	simm.s32 @!p0 $0x1BF5;
	p2 =	por !p2, p0  }
0x20: {  	[sflag:s8] =	ssyncset.s32 @!p0 $0xFFFFF086;
	s6 =	sadd.s32 @!p0 s3, s7;
	s7 =	simm.s32 @!p0 $0x108  }
0x21: {  	s3 =	sadd.s32 s3, s9;
	s6 =	sadd.s32 @!p0 $0x88, s6;
	s7 =	simm.s32 @p2 $0x1082  }
0x22: {  	[simem:s7], [sflag:s8] =	dma.local @!p0 [hbm:s6], $0xF7A  }
0x23: {  	s9 =	sor.u32 $0xD0000000, s2;
	s6 =	simm.s32 $0x108;
	_ =	swait.ge @!p0 [sflag:s8], $0x0  }
0x24: {  	s3 =	sadd.s32 $0x88, s3;
	s6 =	simm.s32 @!p1 $0x1082;
	[sflag:s4] =	ssyncset.s32 $0xFFFFF086  }
0x25: {  	[simem:s6], [sflag:s4] =	dma.local [hbm:s3], $0xF7A  }
0x26: {  	[smem:$0x3F95] =	sst s1;
	(tag) =	ssettag s2;
	_ =	strace s9  }
0x27: {  	s1 =	sld [smem:$0x3FA5]  }
0x28: {  	s2 =	sld [smem:$0x3FA6]  }
0x29: {  	s4 =	sld [smem:$0x3FA8]  }
0x2a: {  	p0 =	seq.s32 s5, $0x0;
	s5 =	sld [smem:$0x3FA9]  }
0x2b: {  	s6 =	sld [smem:$0x3FAA]  }
0x2c: {  	s7 =	sld [smem:$0x3FAB]  }
0x2d: {  	s3 =	simm.s32 $0x108;
	s8 =	sld [smem:$0x3FAC]  }
0x2e: {  	s3 =	simm.s32 @!p0 $0x1082;
	s9 =	sld [smem:$0x3FAD]  }
0x2f: {  	lr =	sadd.s32 s0, s3;
	s0 =	sld [smem:$0x3FA4]  }
0x30: {  	s3 =	sld [smem:$0x3FA7]  }
0x31: {  	[smem:$0x3FB0] =	sst s10  }
0x32: {  	s10 =	sld [smem:$0x3FAE];
	_ =	sdelay $0x3  }
0x33: {  	p0 =	seq.s32 s10, $0x1;
	s10 =	sld [smem:$0x3FB0];
	_ =	sdelay $0x3  }
0x34: {  	[smem:$0x3FB0] =	sst s10  }
0x35: {  	s10 =	sld [smem:$0x3FAF];
	_ =	sdelay $0x3  }
0x36: {  	p1 =	seq.s32 s10, $0x1;
	s10 =	sld [smem:$0x3FB0];
	_ =	sdelay $0x3  }
0x37: {  	[smem:$0x3FB0] =	sst s10  }
0x38: {  	s10 =	sld [smem:$0x3FB1]  }
0x39: {  	_ = 	snop;
	(pc) =	sbr.ind lr, $3  }
0x3a: {  	_ = 	snop  }
0x3b: {  	_ = 	snop  }
0x3c: {  	p2 =	seq.s32 s10, $0x1;
	s10 =	sld [smem:$0x3FB0]  }
0x3d: {  	_ =	shalt  }
0x3e: {  	_ =	shalt  }
0x3f: {  	_ =	shalt  }
0x40: {  	_ =	shalt  }
0x41: {  	_ =	shalt  }
0x42: {  	_ =	shalt  }
0x43: {  	_ =	shalt  }
0x44: {  	_ =	shalt  }
0x45: {  	_ =	shalt  }
0x46: {  	_ =	shalt  }
0x47: {  	_ =	shalt  }
0x48: {  	_ =	shalt  }
0x49: {  	_ =	shalt  }
0x4a: {  	_ =	shalt  }
0x4b: {  	_ =	shalt  }
0x4c: {  	_ =	shalt  }
0x4d: {  	_ =	shalt  }
0x4e: {  	_ =	shalt  }
0x4f: {  	_ =	shalt  }
0x50: {  	_ =	shalt  }
0x51: {  	_ =	shalt  }
0x52: {  	_ =	shalt  }
0x53: {  	_ =	shalt  }
0x54: {  	_ =	shalt  }
0x55: {  	_ =	shalt  }
0x56: {  	_ =	shalt  }
0x57: {  	_ =	shalt  }
0x58: {  	_ =	shalt  }
0x59: {  	_ =	shalt  }
0x5a: {  	_ =	shalt  }
0x5b: {  	_ =	shalt  }
0x5c: {  	_ =	shalt  }
0x5d: {  	_ =	shalt  }
0x5e: {  	_ =	shalt  }
0x5f: {  	_ =	shalt  }
0x60: {  	_ =	shalt  }
0x61: {  	_ =	shalt  }
0x62: {  	_ =	shalt  }
0x63: {  	_ =	shalt  }
0x64: {  	_ =	shalt  }
0x65: {  	_ =	shalt  }
0x66: {  	_ =	shalt  }
0x67: {  	_ =	shalt  }
0x68: {  	_ =	shalt  }
0x69: {  	_ =	shalt  }
0x6a: {  	_ =	shalt  }
0x6b: {  	_ =	shalt  }
0x6c: {  	_ =	shalt  }
0x6d: {  	_ =	shalt  }
0x6e: {  	_ =	shalt  }
0x6f: {  	_ =	shalt  }
0x70: {  	_ =	shalt  }
0x71: {  	_ =	shalt  }
0x72: {  	_ =	shalt  }
0x73: {  	_ =	shalt  }
0x74: {  	_ =	shalt  }
0x75: {  	_ =	shalt  }
0x76: {  	_ =	shalt  }
0x77: {  	_ =	shalt  }
0x78: {  	_ =	shalt  }
0x79: {  	_ =	shalt  }
0x7a: {  	_ =	shalt  }
0x7b: {  	_ =	shalt  }
0x7c: {  	_ =	shalt  }
0x7d: {  	_ =	shalt  }
0x7e: {  	_ =	shalt  }
0x7f: {  	_ =	shalt  }
0x80: {  	_ =	shalt  }
0x81: {  	_ =	shalt  }
0x82: {  	_ =	shalt  }
0x83: {  	_ =	shalt  }
0x84: {  	_ =	shalt  }
0x85: {  	_ =	shalt  }
0x86: {  	_ =	shalt  }
0x87: {  	_ =	shalt  }
.Lfunc_end0:
.L_simem_size_0:
called_computation_lowered:
.L_overlay_start_0:
0x88: {  	s2 =	sld [smem:$0x3FD9]  }
0x89: {  	s3 =	sld [smem:$0x3FFE];
	_ =	sdelay $0x1  }
0x8a: {  	s1 =	srdreg.scid  }
0x8b: {  	s0 =	sand.u32 $0x1, s1  }
0x8c: {  	s17 =	sshll.u32 s0, $0xA;
	s2 =	sadd.s32 s3, s2  }
0x8d: {  	s2 =	sadd.s32 s2, s17  }
0x8e: {  	[smem:$0x3FBC] =	sst s2  }
0x8f: {  	_ = 	snop  }
0x90: {  	s18 =	sld [smem:$0x3FC9]  }
0x91: {  	s5 =	sld [smem:$0x3FC8]  }
0x92: {  	s4 =	sld [smem:$0x3FC7]  }
0x93: {  	s6 =	sld [smem:$0x3FC6];
	(tm) =	ssettm $0x1  }
0x94: {  	s19 =	sld [smem:$0x3FFB];
	_ =	sdelay $0x3  }
0x95: {  	_ =	strace s19  }
0x96: {  	s2 =	sld [smem:$0x3FFC];
	_ =	sdelay $0x3  }
0x97: {  	_ =	strace s2  }
0x98: {  	s2 =	sld [smem:$0x3FFD];
	_ =	sdelay $0x3  }
0x99: {  	_ =	strace s2  }
0x9a: {  	_ =	strace $0x8FFFFFFF  }
0x9b: {  	s20 =	sld [smem:$0x3FDB];
	_ =	sdelay $0x1  }
0x9c: {  	s7 =	simm.s32 $_scs_section_size  }
0x9d: {  	s8 =	simm.s32 $_size__tile_overlayer_lowered;
	s9 =	simm.s32 $_tile_overlayer_lowered  }
0x9e: {  	s10 =	simm.s32 $0x1BFF;
	s21 =	sshll.u32 s9, $0x1;
	s7 =	sadd.s32 s7, s20  }
0x9f: {  	s22 =	simm.s32 $0x0;
	s8 =	sshll.u32 s8, $0x1;
	s9 =	sadd.s32 s21, s7  }
0xa0: {  	[timem:s22], [sflag:s10] =	dma.local [hbm:s9], s8  }
0xa1: {  	_ =	swait.ge [sflag:s10], s8  }
0xa2: {  	s8 =	ssub.s32 $0x0, s8;
	[sflag:s10] =	ssyncset.done $0x0  }
0xa3: {  	[sflag:s10] =	ssyncadd.s32 s8;
	_ =	sdelay $0x1  }
0xa4: {  	s23 =	simm.s32 $0x1B8B  }
0xa5: {  	_ =	swait.ge [sflag:s23], $0x1  }
0xa6: {  	[sflag:s23] =	ssyncset.done $0x0  }
0xa7: {  	[sflag:s23] =	ssyncadd.s32 $0xFFFFFFFF  }
0xa8: {  	s8 =	sld [smem:$0x0]  }
0xa9: {  	s9 =	sand.u32 $0xFFFFFFFE, s1  }
0xaa: {  	p0 =	sne.s32 s1, s9  }
0xab: {  	s9 =	sshll.u32 @p0 s9, $0xE  }
0xac: {  	s9 =	sadd.s32 @p0 $0x11B8D, s9;
	s10 =	sshll.u32 @p0 s8, $0x11  }
0xad: {  	s9 =	sor.u32 @p0 s10, s9  }
0xae: {  	[sflag:s9] =	ssyncadd.remote.s32 @p0 $0x1;
	_ =	sdelay $0x1  }
0xaf: {  	s9 =	simm.s32 @p0 $0x1B8D  }
0xb0: {  	_ =	swait.eq @p0 [sflag:s9], $0x1  }
0xb1: {  	[sflag:s9] =	ssyncadd.s32 @p0 $0xFFFFFFFF  }
0xb2: {  	s10 =	sshll.u32 @!p0 s1, $0xE  }
0xb3: {  	s10 =	sor.u32 @!p0 $0x4000, s10;
	s9 =	simm.s32 @!p0 $0x1B8D  }
0xb4: {  	s8 =	sshll.u32 @!p0 s8, $0x11;
	s10 =	sadd.s32 @!p0 $0x11B8D, s10;
	_ =	swait.eq @!p0 [sflag:s9], $0x1  }
0xb5: {  	s8 =	sor.u32 @!p0 s8, s10;
	[sflag:s9] =	ssyncadd.s32 @!p0 $0xFFFFFFFF  }
0xb6: {  	s25 =	simm.s32 $0x1B8E;
	s24 =	sld [smem:$0x3FFE];
	[sflag:s8] =	ssyncadd.remote.s32 @!p0 $0x1  }
0xb7: {  	s26 =	simm.s32 $execute0_lowered;
	[smem:$0x3FD2] =	sst s25  }
0xb8: {  	s9 =	sshll.u32 s26, $0x1;
	_ =	strace $0x80000049;
	[dreg:$0x1] =	wrdreg $0xFFFFFFFF  }
0xb9: {  	s28 =	simm.s32 $_size_execute0_lowered;
	s7 =	sadd.s32 s7, s9;
	[dreg:$0x0] =	wrdreg $0x0  }
0xba: {  	s9 =	sshll.u32 s28, $0x1;
	[dreg:$0x2] =	wrdreg s7  }
0xbb: {  	[dreg:$0x3] =	wrdreg s9  }
0xbc: {  	[dreg:$0x4] =	wrdreg $0xC0  }
0xbd: {  	_ =	task [dreg:s22], $0x5FFFF  }
0xbe: {  	[dreg:$0x1] =	wrdreg $0xFFFFFFFF  }
0xbf: {  	[dreg:$0x0] =	wrdreg $0x60  }
0xc0: {  	[dreg:$0x2] =	wrdreg s5  }
0xc1: {  	[dreg:$0x3] =	wrdreg s18  }
0xc2: {  	[dreg:$0x4] =	wrdreg s6  }
0xc3: {  	[dreg:$0x5] =	wrdreg s4  }
0xc4: {  	[dreg:$0x6] =	wrdreg s24  }
0xc5: {  	[dreg:$0x7] =	wrdreg $0x9  }
0xc6: {  	_ =	task.clear_ibuf [dreg:s22], $0x8FFFF;
	_ =	strace $0x90000049  }
0xc7: {  	s29 =	simm.s32 $0x9;
	_ =	strace $0x8000004B  }
0xc8: {  	_ =	swait.ge [sflag:s29], $0x1  }
0xc9: {  	[sflag:s29] =	ssyncadd.s32 $0xFFFFFFFF  }
0xca: {  	_ =	strace $0x9000004B  }
0xcb: {  	_ =	sfence  }
0xcc: {  	s30 =	sld [smem:$0x0];
	_ =	sdelay $0x2  }
0xcd: {  	s31 =	sshll.u32 s1, $0xD;
	s1 =	sshrl.u32 s1, $0x2  }
0xce: {  	s4 =	sand.u32 $0x4000, s31;
	s1 =	sadd.s32 s1, s30  }
0xcf: {  	s0 =	sor.u32 s4, s0;
	s1 =	sshll.u32 s1, $0x11  }
0xd0: {  	s0 =	sor.u32 s1, s0  }
0xd1: {  	s0 =	sadd.s32 $0x8F2B, s0  }
0xd2: {  	[sflag:s0] =	ssyncadd.remote.s32 $0x1  }
0xd3: {  	_ =	sfence.sel $0xFFFF  }
0xd4: {  	[dreg:$0x0] =	wrdreg $0xFFFFFFFF;
	(pc) =	sbr.abs _section_cstart, $3  }
0xd5: {  	[dreg:$0x1] =	wrdreg $0xFFFFFFFF  }
0xd6: {  	_ =	task.clear_ibuf [dreg:s22], $0x2FFFF;
	_ =	strace $0x9FFFFFFF  }
0xd7: {  	(tm) =	ssettm $0x7FFFFFFF  }
tec
execute0_lowered:
.L_overlay_start_1:
0x0: {  	(tag) =	ssettag $0x1  }
0x1: {  	s8 =	rddreg [dreg:$0x0]  }
0x2: {  	s10 =	rddreg [dreg:$0x1]  }
0x3: {  	s2 =	rddreg [dreg:$0x2];
	s4 =	srdreg.scid  }
0x4: {  	s3 =	rddreg [dreg:$0x3];
	s1 =	stileid.u32;
	s25 =	sand.u32 $0x1, s4  }
0x5: {  	s19 =	rddreg [dreg:$0x4];
	s5 =	sshll.u32 s1, $0x2;
	s6 =	sshll.u32 s25, $0x1  }
0x6: {  	s0 =	rddreg [dreg:$0x5];
	s4 =	simm.s32 $0x0;
	s18 =	sor.u32 s6, s5  }
0x7: {  	s30 =	sshll.u32 s1, $0x6;
	[smem:$0x7FF] =	sst s4;
	s22 =	sor.u32 $0x1, s18  }
0x8: {  	s9 =	sand.u32 $0x380, s30;
	s6 =	sshll.u32 s18, $0x4;
	s7 =	sshll.u32 s22, $0x4  }
0x9: {  	_ =	strace $0x8000004A;
	s5 =	sadd.s32 s8, s6;
	s7 =	sand.u32 $0x70, s7  }
0xa: {  	[tilespmem:s4], [sflag:$0x1] =	stream.linear.gather [hbm4b:s5+s4], $0x80, $0x38;
	[tilespmem:$0x10200] =	vst v63  }
0xb: {  	s6 =	sadd.s32 s10, s6;
	s11 =	sor.u32 s9, s7;
	s7 =	simm.s32 $0x100  }
0xc: {  	[tilespmem:s7], [sflag:$0x2] =	stream.linear.gather [hbm4b:s6+s4], $0x80, $0x38;
	[tilespmem:$0x10200] =	vst v63  }
0xd: {  	s9 =	simm.s32 $0x80;
	s8 =	sadd.s32 s8, s11  }
0xe: {  	[tilespmem:s9], [sflag:$0x1] =	stream.linear.gather [hbm4b:s8+s4], $0x80, $0x38;
	[tilespmem:$0x10200] =	vst v63  }
0xf: {  	s12 =	simm.s32 $0x1;
	s10 =	sadd.s32 s10, s11;
	s11 =	simm.s32 $0x180  }
0x10: {  	[tilespmem:s11], [sflag:$0x2] =	stream.linear.gather [hbm4b:s10+s4], $0x80, $0x38;
	[tilespmem:$0x10200] =	vst v63  }
0x11: {  	_ =	swait.ge [sflag:s12], $0x80  }
0x12: {  	[sflag:s12] =	ssyncset.done $0x0  }
0x13: {  	s13 =	simm.s32 $0x2;
	[sflag:s12] =	ssyncadd.s32 $0xFFFFFF80  }
0x14: {  	_ =	swait.ge [sflag:s13], $0x80  }
0x15: {  	[sflag:s13] =	ssyncset.done $0x0  }
0x16: {  	[sflag:s13] =	ssyncadd.s32 $0xFFFFFF80  }
0x17: {  	_ =	swait.ge [sflag:s12], $0x80  }
0x18: {  	[sflag:s12] =	ssyncset.done $0x0  }
0x19: {  	[sflag:s12] =	ssyncadd.s32 $0xFFFFFF80  }
0x1a: {  	_ =	swait.ge [sflag:s13], $0x80  }
0x1b: {  	[sflag:s13] =	ssyncset.done $0x0  }
0x1c: {  	s14 =	simm.s32 $0x200;
	[sflag:s13] =	ssyncadd.s32 $0xFFFFFF80  }
0x1d: {  	[tilespmem:s14], [sflag:$0x1] =	stream.indirect.gather [hbm4b:s2+s9], $0x80, s4, s9, $0xb8;
	[tilespmem:$0x10200] =	vst v63  }
0x1e: {  	s15 =	simm.s32 $0x8200  }
0x1f: {  	[tilespmem:s15], [sflag:$0x1] =	stream.indirect.gather [hbm4b:s3+s9], $0x80, s7, s9, $0xb8;
	[tilespmem:$0x10200] =	vst v63  }
0x20: {  	s16 =	simm.s32 $0x4200  }
0x21: {  	[tilespmem:s16], [sflag:$0x2] =	stream.indirect.gather [hbm4b:s2+s9], $0x80, s9, s9, $0xb8;
	[tilespmem:$0x10200] =	vst v63  }
0x22: {  	s17 =	simm.s32 $0xC200  }
0x23: {  	[tilespmem:s17], [sflag:$0x2] =	stream.indirect.gather [hbm4b:s3+s9], $0x80, s11, s9, $0xb8;
	[tilespmem:$0x10200] =	vst v63  }
0x24: {  	_ =	swait.ge [sflag:s12], $0x4000  }
0x25: {  	[sflag:s12] =	ssyncset.done $0x0  }
0x26: {  	[sflag:s12] =	ssyncadd.s32 $0xFFFFC000  }
0x27: {  	s20 =	simm.s32 $0x800;
	s23 =	sadd.s32 $0x41A00, s19;
	_ =	swait.ge [sflag:s12], $0x4000  }
0x28: {  	s24 =	sadd.s32 $0x41A80, s19;
	s21 =	sshll.u32 s18, $0xC;
	[sflag:s12] =	ssyncset.done $0x0  }
0x29: {  	s19 =	simm.s32 $0x400;
	s18 =	sadd.s32 s23, s21;
	[sflag:s12] =	ssyncadd.s32 $0xFFFFC000  }
0x2a: {  	[hbm4b:s18+s19] =	stream.strided.scatter [tilespmem:s14], [sflag:$0x3], $0x4000, s20, s19, $0x38;
	[tilespmem:$0x10200] =	vst v63  }
0x2b: {  	s21 =	sadd.s32 s21, s24  }
0x2c: {  	[hbm4b:s21+s19] =	stream.strided.scatter [tilespmem:s15], [sflag:$0x3], $0x4000, s20, s19, $0x38;
	[tilespmem:$0x10200] =	vst v63  }
0x2d: {  	_ =	swait.ge [sflag:s13], $0x4000  }
0x2e: {  	[sflag:s13] =	ssyncset.done $0x0  }
0x2f: {  	[sflag:s13] =	ssyncadd.s32 $0xFFFFC000  }
0x30: {  	_ =	swait.ge [sflag:s13], $0x4000  }
0x31: {  	s26 =	sshll.u32 s22, $0xC;
	[sflag:s13] =	ssyncset.done $0x0  }
0x32: {  	s22 =	sadd.s32 s23, s26;
	[sflag:s13] =	ssyncadd.s32 $0xFFFFC000  }
0x33: {  	[hbm4b:s22+s19] =	stream.strided.scatter [tilespmem:s16], [sflag:$0x4], $0x4000, s20, s19, $0x38;
	[tilespmem:$0x10200] =	vst v63  }
0x34: {  	s23 =	sadd.s32 s26, s24;
	s24 =	simm.s32 $0x3  }
0x35: {  	[hbm4b:s23+s19] =	stream.strided.scatter [tilespmem:s17], [sflag:$0x4], $0x4000, s20, s19, $0x38;
	[tilespmem:$0x10200] =	vst v63  }
0x36: {  	_ =	swait.ge [sflag:s24], $0x4000  }
0x37: {  	s31 =	ssub.s32 $0x2, s25;
	[sflag:s24] =	ssyncset.done $0x0  }
0x38: {  	s28 =	sshrl.u32 s31, $0x1;
	[sflag:s24] =	ssyncadd.s32 $0xFFFFC000  }
0x39: {  	s26 =	ssub.s32 s31, s28;
	_ =	swait.ge [sflag:s24], $0x4000  }
0x3a: {  	s26 =	smax.u32 s26, $0x1;
	[sflag:s24] =	ssyncset.done $0x0  }
0x3b: {  	s25 =	simm.s32 $0x4;
	p0 =	sne.s32 s26, $0x1;
	[sflag:s24] =	ssyncadd.s32 $0xFFFFC000  }
.Ltmp0:
0x3c: {  	_ =	swait.ge [sflag:s25], $0x4000;
	(pc) =	sbr.rel @!p0 .LBB2_2-.Ltmp0, $4  }
0x3d: {  	[sflag:s25] =	ssyncset.done $0x0  }
0x3e: {  	[sflag:s25] =	ssyncadd.s32 $0xFFFFC000  }
0x3f: {  	_ =	swait.ge [sflag:s25], $0x4000  }
0x40: {  	s26 =	sadd.s32 $0xFFFFFFFF, s26;
	[sflag:s25] =	ssyncset.done $0x0  }
.LBB2_1:
0x41: {  	p0 =	sne.s32 s26, $0x1;
	s26 =	sadd.s32 $0xFFFFFFFF, s26;
	[sflag:s25] =	ssyncadd.s32 $0xFFFFC000  }
0x42: {  	[tilespmem:s4], [sflag:$0x1] =	stream.linear.gather [hbm4b:s5+s4], $0x80, $0x38;
	[tilespmem:$0x10200] =	vst v63  }
0x43: {  	_ = 	snop  }
0x44: {  	[tilespmem:s7], [sflag:$0x2] =	stream.linear.gather [hbm4b:s6+s4], $0x80, $0x38;
	[tilespmem:$0x10200] =	vst v63  }
0x45: {  	_ = 	snop  }
0x46: {  	[tilespmem:s9], [sflag:$0x1] =	stream.linear.gather [hbm4b:s8+s4], $0x80, $0x38;
	[tilespmem:$0x10200] =	vst v63  }
0x47: {  	_ = 	snop  }
0x48: {  	[tilespmem:s11], [sflag:$0x2] =	stream.linear.gather [hbm4b:s10+s4], $0x80, $0x38;
	[tilespmem:$0x10200] =	vst v63  }
0x49: {  	_ =	swait.ge [sflag:s12], $0x80  }
0x4a: {  	[sflag:s12] =	ssyncset.done $0x0  }
0x4b: {  	[sflag:s12] =	ssyncadd.s32 $0xFFFFFF80  }
0x4c: {  	_ =	swait.ge [sflag:s13], $0x80  }
0x4d: {  	[sflag:s13] =	ssyncset.done $0x0  }
0x4e: {  	[sflag:s13] =	ssyncadd.s32 $0xFFFFFF80  }
0x4f: {  	_ =	swait.ge [sflag:s12], $0x80  }
0x50: {  	[sflag:s12] =	ssyncset.done $0x0  }
0x51: {  	[sflag:s12] =	ssyncadd.s32 $0xFFFFFF80  }
0x52: {  	_ =	swait.ge [sflag:s13], $0x80  }
0x53: {  	[sflag:s13] =	ssyncset.done $0x0  }
0x54: {  	[sflag:s13] =	ssyncadd.s32 $0xFFFFFF80  }
0x55: {  	[tilespmem:s14], [sflag:$0x1] =	stream.indirect.gather [hbm4b:s2+s9], $0x80, s4, s9, $0xb8;
	[tilespmem:$0x10200] =	vst v63  }
0x56: {  	_ = 	snop  }
0x57: {  	[tilespmem:s15], [sflag:$0x1] =	stream.indirect.gather [hbm4b:s3+s9], $0x80, s7, s9, $0xb8;
	[tilespmem:$0x10200] =	vst v63  }
0x58: {  	_ = 	snop  }
0x59: {  	[tilespmem:s16], [sflag:$0x2] =	stream.indirect.gather [hbm4b:s2+s9], $0x80, s9, s9, $0xb8;
	[tilespmem:$0x10200] =	vst v63  }
0x5a: {  	_ = 	snop  }
0x5b: {  	[tilespmem:s17], [sflag:$0x2] =	stream.indirect.gather [hbm4b:s3+s9], $0x80, s11, s9, $0xb8;
	[tilespmem:$0x10200] =	vst v63  }
0x5c: {  	_ =	swait.ge [sflag:s12], $0x4000  }
0x5d: {  	[sflag:s12] =	ssyncset.done $0x0  }
0x5e: {  	[sflag:s12] =	ssyncadd.s32 $0xFFFFC000  }
0x5f: {  	_ =	swait.ge [sflag:s12], $0x4000  }
0x60: {  	[sflag:s12] =	ssyncset.done $0x0  }
0x61: {  	[sflag:s12] =	ssyncadd.s32 $0xFFFFC000  }
0x62: {  	[hbm4b:s18+s19] =	stream.strided.scatter [tilespmem:s14], [sflag:$0x3], $0x4000, s20, s19, $0x38;
	[tilespmem:$0x10200] =	vst v63  }
0x63: {  	_ = 	snop  }
0x64: {  	[hbm4b:s21+s19] =	stream.strided.scatter [tilespmem:s15], [sflag:$0x3], $0x4000, s20, s19, $0x38;
	[tilespmem:$0x10200] =	vst v63  }
0x65: {  	_ =	swait.ge [sflag:s13], $0x4000  }
0x66: {  	[sflag:s13] =	ssyncset.done $0x0  }
0x67: {  	[sflag:s13] =	ssyncadd.s32 $0xFFFFC000  }
0x68: {  	_ =	swait.ge [sflag:s13], $0x4000  }
0x69: {  	[sflag:s13] =	ssyncset.done $0x0  }
0x6a: {  	[sflag:s13] =	ssyncadd.s32 $0xFFFFC000  }
0x6b: {  	[hbm4b:s22+s19] =	stream.strided.scatter [tilespmem:s16], [sflag:$0x4], $0x4000, s20, s19, $0x38;
	[tilespmem:$0x10200] =	vst v63  }
0x6c: {  	_ = 	snop  }
0x6d: {  	[hbm4b:s23+s19] =	stream.strided.scatter [tilespmem:s17], [sflag:$0x4], $0x4000, s20, s19, $0x38;
	[tilespmem:$0x10200] =	vst v63  }
0x6e: {  	_ =	swait.ge [sflag:s24], $0x4000  }
0x6f: {  	[sflag:s24] =	ssyncset.done $0x0  }
0x70: {  	[sflag:s24] =	ssyncadd.s32 $0xFFFFC000  }
0x71: {  	_ =	swait.ge [sflag:s24], $0x4000  }
0x72: {  	[sflag:s24] =	ssyncset.done $0x0  }
0x73: {  	[sflag:s24] =	ssyncadd.s32 $0xFFFFC000  }
.Ltmp1:
0x74: {  	_ =	swait.ge [sflag:s25], $0x4000;
	(pc) =	sbr.rel @p0 .LBB2_1-.Ltmp1, $4  }
0x75: {  	[sflag:s25] =	ssyncset.done $0x0  }
0x76: {  	[sflag:s25] =	ssyncadd.s32 $0xFFFFC000  }
0x77: {  	_ =	swait.ge [sflag:s25], $0x4000  }
0x78: {  	[sflag:s25] =	ssyncset.done $0x0  }
.LBB2_2:
0x79: {  	[sflag:s25] =	ssyncadd.s32 $0xFFFFC000  }
0x7a: {  	_ =	sfence.sel $0x180000  }
0x7b: {  	[bflag:$0x0] =	sbarrier.arrive $0xFFFF  }
0x7c: {  	p0 =	sne.s32 s1, $0x0;
	_ =	strace $0x9000004A  }
0x7d: {  	s0 =	sadd.s32 @!p0 $0x100000, s0;
	[bflag:$0x2] =	sbarrier.arrive $0xFFFF  }
0x7e: {  	[sflag:s0] =	ssyncadd.tile.s32 @!p0 $0x1;
	_ =	shalt  }
.Lfunc_end2:
_tile_overlayer_lowered:
.L_overlay_start_2:
0x7f: {  	(tag) =	ssettag $0x2  }
0x80: {  	s0 =	rddreg [dreg:$0x0];
	s2 =	stileid.u32  }
0x81: {  	s1 =	rddreg [dreg:$0x1];
	p0 =	sne.s32 s2, $0x0  }
0x82: {  	s3 =	rddreg [dreg:$0x2];
	[bflag:$0x3] =	sbarrier.arrive $0xFFFF;
	s2 =	simm.s32 @!p0 $0x1C05  }
0x83: {  	[timem:s3], [sflag:s2] =	dma.local @!p0 [hbm:s0], s1  }
0x84: {  	s0 =	simm.s32 @!p0 $0x5  }
0x85: {  	_ =	swait.ge @!p0 [sflag:s0], s1  }
0x86: {  	s1 =	ssub.s32 @!p0 $0x0, s1;
	[sflag:s0] =	ssyncset.done @!p0 $0x0  }
0x87: {  	[sflag:s0] =	ssyncadd.s32 @!p0 s1  }
0x88: {  	[bflag:$0x3] =	sbarrier.arrive $0xFFFF  }
0x89: {  	_ =	shalt  }

// kernel: kernel.9.cloned.1.call-start
scs
__scs_entry_jumppad:
0x0: {  	(pc) =	sbr.rel $0x88, $3  }
0x1: {  	(tag) =	ssettag $0x0;
	lr =	simm.s32 $0x1  }
0x2: {  	[smem:$0x3F95] =	sst lr;
	_ =	strace $0xD0000000  }
0x3: {  	_ = 	snop  }
0x4: {  	_ = 	snop  }
0x5: {  	_ = 	snop  }
0x6: {  	_ = 	snop  }
0x7: {  	_ = 	snop  }
__scs_overlays_trampoline_lowered:
0x8: {  	[smem:$0x3FA4] =	sst s0  }
0x9: {  	[smem:$0x3FA5] =	sst s1  }
0xa: {  	[smem:$0x3FA6] =	sst s2  }
0xb: {  	[smem:$0x3FA7] =	sst s3  }
0xc: {  	[smem:$0x3FA8] =	sst s4  }
0xd: {  	[smem:$0x3FA9] =	sst s5  }
0xe: {  	[smem:$0x3FAA] =	sst s6  }
0xf: {  	[smem:$0x3FAB] =	sst s7  }
0x10: {  	[smem:$0x3FAC] =	sst s8  }
0x11: {  	[smem:$0x3FAD] =	sst s9;
	s0 =	simm.s32 @!p0 $0x0  }
0x12: {  	s1 =	sld [smem:$0x3F93];
	s0 =	simm.s32 @p0 $0x1  }
0x13: {  	[smem:$0x3FAE] =	sst s0;
	s0 =	simm.s32 @!p1 $0x0  }
0x14: {  	s2 =	sld [smem:$0x3F92];
	s0 =	simm.s32 @p1 $0x1  }
0x15: {  	[smem:$0x3FAF] =	sst s0;
	s0 =	simm.s32 @!p2 $0x0  }
0x16: {  	s3 =	sld [smem:$0x3FDB];
	s0 =	simm.s32 @p2 $0x1  }
0x17: {  	s4 =	simm.s32 $0x1BF5;
	[smem:$0x3FB1] =	sst s0  }
0x18: {  	s0 =	sld [smem:$0x3F94];
	_ =	swait.ge [sflag:s4], $0x0  }
0x19: {  	s7 =	sld [smem:$0x3F95]  }
0x1a: {  	s8 =	sadd.s32 $0xFFFFE003, lr  }
0x1b: {  	s9 =	sadd.s32 $0xFFFFFEF7, lr;
	s5 =	simm.s32 $0xFFFFFFFF;
	p2 =	slt.u32 s8, $0xFFFFF086  }
0x1c: {  	p1 =	slt.u32 s9, $0xF7A;
	s5 =	simm.s32 @!p2 $0x0  }
0x1d: {  	s5 =	simm.s32 @p1 $0x1;
	p0 =	seq.s32 s7, s2  }
0x1e: {  	s7 =	smul.u32 @!p0 $0xF7A, s2;
	p2 =	seq.s32 @!p0 s5, $0x0  }
0x1f: {  	s9 =	smul.u32 $0xF7A, s1;
	s8 =	simm.s32 @!p0 $0x1BF5;
	p2 =	por !p2, p0  }
0x20: {  	[sflag:s8] =	ssyncset.s32 @!p0 $0xFFFFF086;
	s6 =	sadd.s32 @!p0 s3, s7;
	s7 =	simm.s32 @!p0 $0x108  }
0x21: {  	s3 =	sadd.s32 s3, s9;
	s6 =	sadd.s32 @!p0 $0x88, s6;
	s7 =	simm.s32 @p2 $0x1082  }
0x22: {  	[simem:s7], [sflag:s8] =	dma.local @!p0 [hbm:s6], $0xF7A  }
0x23: {  	s9 =	sor.u32 $0xD0000000, s2;
	s6 =	simm.s32 $0x108;
	_ =	swait.ge @!p0 [sflag:s8], $0x0  }
0x24: {  	s3 =	sadd.s32 $0x88, s3;
	s6 =	simm.s32 @!p1 $0x1082;
	[sflag:s4] =	ssyncset.s32 $0xFFFFF086  }
0x25: {  	[simem:s6], [sflag:s4] =	dma.local [hbm:s3], $0xF7A  }
0x26: {  	[smem:$0x3F95] =	sst s1;
	(tag) =	ssettag s2;
	_ =	strace s9  }
0x27: {  	s1 =	sld [smem:$0x3FA5]  }
0x28: {  	s2 =	sld [smem:$0x3FA6]  }
0x29: {  	s4 =	sld [smem:$0x3FA8]  }
0x2a: {  	p0 =	seq.s32 s5, $0x0;
	s5 =	sld [smem:$0x3FA9]  }
0x2b: {  	s6 =	sld [smem:$0x3FAA]  }
0x2c: {  	s7 =	sld [smem:$0x3FAB]  }
0x2d: {  	s3 =	simm.s32 $0x108;
	s8 =	sld [smem:$0x3FAC]  }
0x2e: {  	s3 =	simm.s32 @!p0 $0x1082;
	s9 =	sld [smem:$0x3FAD]  }
0x2f: {  	lr =	sadd.s32 s0, s3;
	s0 =	sld [smem:$0x3FA4]  }
0x30: {  	s3 =	sld [smem:$0x3FA7]  }
0x31: {  	[smem:$0x3FB0] =	sst s10  }
0x32: {  	s10 =	sld [smem:$0x3FAE];
	_ =	sdelay $0x3  }
0x33: {  	p0 =	seq.s32 s10, $0x1;
	s10 =	sld [smem:$0x3FB0];
	_ =	sdelay $0x3  }
0x34: {  	[smem:$0x3FB0] =	sst s10  }
0x35: {  	s10 =	sld [smem:$0x3FAF];
	_ =	sdelay $0x3  }
0x36: {  	p1 =	seq.s32 s10, $0x1;
	s10 =	sld [smem:$0x3FB0];
	_ =	sdelay $0x3  }
0x37: {  	[smem:$0x3FB0] =	sst s10  }
0x38: {  	s10 =	sld [smem:$0x3FB1]  }
0x39: {  	_ = 	snop;
	(pc) =	sbr.ind lr, $3  }
0x3a: {  	_ = 	snop  }
0x3b: {  	_ = 	snop  }
0x3c: {  	p2 =	seq.s32 s10, $0x1;
	s10 =	sld [smem:$0x3FB0]  }
0x3d: {  	_ =	shalt  }
0x3e: {  	_ =	shalt  }
0x3f: {  	_ =	shalt  }
0x40: {  	_ =	shalt  }
0x41: {  	_ =	shalt  }
0x42: {  	_ =	shalt  }
0x43: {  	_ =	shalt  }
0x44: {  	_ =	shalt  }
0x45: {  	_ =	shalt  }
0x46: {  	_ =	shalt  }
0x47: {  	_ =	shalt  }
0x48: {  	_ =	shalt  }
0x49: {  	_ =	shalt  }
0x4a: {  	_ =	shalt  }
0x4b: {  	_ =	shalt  }
0x4c: {  	_ =	shalt  }
0x4d: {  	_ =	shalt  }
0x4e: {  	_ =	shalt  }
0x4f: {  	_ =	shalt  }
0x50: {  	_ =	shalt  }
0x51: {  	_ =	shalt  }
0x52: {  	_ =	shalt  }
0x53: {  	_ =	shalt  }
0x54: {  	_ =	shalt  }
0x55: {  	_ =	shalt  }
0x56: {  	_ =	shalt  }
0x57: {  	_ =	shalt  }
0x58: {  	_ =	shalt  }
0x59: {  	_ =	shalt  }
0x5a: {  	_ =	shalt  }
0x5b: {  	_ =	shalt  }
0x5c: {  	_ =	shalt  }
0x5d: {  	_ =	shalt  }
0x5e: {  	_ =	shalt  }
0x5f: {  	_ =	shalt  }
0x60: {  	_ =	shalt  }
0x61: {  	_ =	shalt  }
0x62: {  	_ =	shalt  }
0x63: {  	_ =	shalt  }
0x64: {  	_ =	shalt  }
0x65: {  	_ =	shalt  }
0x66: {  	_ =	shalt  }
0x67: {  	_ =	shalt  }
0x68: {  	_ =	shalt  }
0x69: {  	_ =	shalt  }
0x6a: {  	_ =	shalt  }
0x6b: {  	_ =	shalt  }
0x6c: {  	_ =	shalt  }
0x6d: {  	_ =	shalt  }
0x6e: {  	_ =	shalt  }
0x6f: {  	_ =	shalt  }
0x70: {  	_ =	shalt  }
0x71: {  	_ =	shalt  }
0x72: {  	_ =	shalt  }
0x73: {  	_ =	shalt  }
0x74: {  	_ =	shalt  }
0x75: {  	_ =	shalt  }
0x76: {  	_ =	shalt  }
0x77: {  	_ =	shalt  }
0x78: {  	_ =	shalt  }
0x79: {  	_ =	shalt  }
0x7a: {  	_ =	shalt  }
0x7b: {  	_ =	shalt  }
0x7c: {  	_ =	shalt  }
0x7d: {  	_ =	shalt  }
0x7e: {  	_ =	shalt  }
0x7f: {  	_ =	shalt  }
0x80: {  	_ =	shalt  }
0x81: {  	_ =	shalt  }
0x82: {  	_ =	shalt  }
0x83: {  	_ =	shalt  }
0x84: {  	_ =	shalt  }
0x85: {  	_ =	shalt  }
0x86: {  	_ =	shalt  }
0x87: {  	_ =	shalt  }
.Lfunc_end0:
.L_simem_size_0:
called_computation.1_lowered:
.L_overlay_start_0:
0x88: {  	s2 =	sld [smem:$0x3FD9]  }
0x89: {  	s3 =	sld [smem:$0x3FFE];
	_ =	sdelay $0x1  }
0x8a: {  	s1 =	srdreg.scid  }
0x8b: {  	s0 =	sand.u32 $0x1, s1  }
0x8c: {  	s17 =	sshll.u32 s0, $0xA;
	s2 =	sadd.s32 s3, s2  }
0x8d: {  	s2 =	sadd.s32 s2, s17  }
0x8e: {  	[smem:$0x3FBC] =	sst s2  }
0x8f: {  	_ = 	snop  }
0x90: {  	s2 =	sld [smem:$0x3FC9]  }
0x91: {  	s18 =	sld [smem:$0x3FC8]  }
0x92: {  	s4 =	sld [smem:$0x3FC7]  }
0x93: {  	s5 =	sld [smem:$0x3FC6];
	(tm) =	ssettm $0x1  }
0x94: {  	s6 =	sld [smem:$0x3FFB];
	_ =	sdelay $0x3  }
0x95: {  	_ =	strace s6  }
0x96: {  	s6 =	sld [smem:$0x3FFC];
	_ =	sdelay $0x3  }
0x97: {  	_ =	strace s6  }
0x98: {  	s6 =	sld [smem:$0x3FFD];
	_ =	sdelay $0x3  }
0x99: {  	_ =	strace s6  }
0x9a: {  	_ =	strace $0x8FFFFFFF  }
0x9b: {  	s19 =	sld [smem:$0x3FDB];
	_ =	sdelay $0x1  }
0x9c: {  	s7 =	simm.s32 $_scs_section_size  }
0x9d: {  	s8 =	simm.s32 $_size__tile_overlayer_lowered;
	s9 =	simm.s32 $_tile_overlayer_lowered  }
0x9e: {  	s22 =	simm.s32 $0x1BFF;
	s21 =	sshll.u32 s9, $0x1;
	s6 =	sadd.s32 s7, s19  }
0x9f: {  	s10 =	simm.s32 $0x0;
	s20 =	sshll.u32 s8, $0x1;
	s8 =	sadd.s32 s21, s6  }
0xa0: {  	[timem:s10], [sflag:s22] =	dma.local [hbm:s8], s20  }
0xa1: {  	_ =	swait.ge [sflag:s22], s20  }
0xa2: {  	s7 =	ssub.s32 $0x0, s20;
	[sflag:s22] =	ssyncset.done $0x0  }
0xa3: {  	[sflag:s22] =	ssyncadd.s32 s7;
	_ =	sdelay $0x1  }
0xa4: {  	s23 =	simm.s32 $0x1B8B  }
0xa5: {  	_ =	swait.ge [sflag:s23], $0x1  }
0xa6: {  	[sflag:s23] =	ssyncset.done $0x0  }
0xa7: {  	s25 =	simm.s32 $0x1B8E;
	s24 =	sld [smem:$0x3FFE];
	[sflag:s23] =	ssyncadd.s32 $0xFFFFFFFF  }
0xa8: {  	s26 =	simm.s32 $execute0_lowered;
	[smem:$0x3FD2] =	sst s25  }
0xa9: {  	s8 =	sshll.u32 s26, $0x1;
	_ =	strace $0x80000046;
	[dreg:$0x1] =	wrdreg $0xFFFFFFFF  }
0xaa: {  	s28 =	simm.s32 $_size_execute0_lowered;
	s6 =	sadd.s32 s6, s8;
	[dreg:$0x0] =	wrdreg $0x0  }
0xab: {  	s8 =	sshll.u32 s28, $0x1;
	[dreg:$0x2] =	wrdreg s6  }
0xac: {  	[dreg:$0x3] =	wrdreg s8  }
0xad: {  	[dreg:$0x4] =	wrdreg $0xC0  }
0xae: {  	_ =	task [dreg:s10], $0x5FFFF  }
0xaf: {  	[dreg:$0x1] =	wrdreg $0xFFFFFFFF  }
0xb0: {  	[dreg:$0x0] =	wrdreg $0x60  }
0xb1: {  	[dreg:$0x2] =	wrdreg s18  }
0xb2: {  	[dreg:$0x3] =	wrdreg s2  }
0xb3: {  	[dreg:$0x4] =	wrdreg s5  }
0xb4: {  	[dreg:$0x5] =	wrdreg s4  }
0xb5: {  	[dreg:$0x6] =	wrdreg s24  }
0xb6: {  	[dreg:$0x7] =	wrdreg $0xA  }
0xb7: {  	_ =	task.clear_ibuf [dreg:s10], $0x8FFFF;
	_ =	strace $0x90000046  }
0xb8: {  	s29 =	simm.s32 $0xA;
	_ =	strace $0x80000048  }
0xb9: {  	_ =	swait.ge [sflag:s29], $0x1  }
0xba: {  	[sflag:s29] =	ssyncadd.s32 $0xFFFFFFFF  }
0xbb: {  	_ =	strace $0x90000048  }
0xbc: {  	_ =	sfence  }
0xbd: {  	s30 =	sld [smem:$0x0];
	_ =	sdelay $0x2  }
0xbe: {  	s31 =	sshll.u32 s1, $0xD;
	s1 =	sshrl.u32 s1, $0x2  }
0xbf: {  	s3 =	sand.u32 $0x4000, s31;
	s1 =	sadd.s32 s1, s30  }
0xc0: {  	s0 =	sor.u32 s3, s0;
	s1 =	sshll.u32 s1, $0x11  }
0xc1: {  	s0 =	sor.u32 s1, s0  }
0xc2: {  	s0 =	sadd.s32 $0x8F2B, s0  }
0xc3: {  	[sflag:s0] =	ssyncadd.remote.s32 $0x1  }
0xc4: {  	_ =	sfence.sel $0xFFFF  }
0xc5: {  	[dreg:$0x0] =	wrdreg $0xFFFFFFFF;
	(pc) =	sbr.abs _section_cstart, $3  }
0xc6: {  	[dreg:$0x1] =	wrdreg $0xFFFFFFFF  }
0xc7: {  	_ =	task.clear_ibuf [dreg:s10], $0x2FFFF;
	_ =	strace $0x9FFFFFFF  }
0xc8: {  	(tm) =	ssettm $0x7FFFFFFF  }
0xc9: {  	_ =	shalt  }
tec
execute0_lowered:
.L_overlay_start_1:
0x0: {  	(tag) =	ssettag $0x1  }
0x1: {  	s8 =	rddreg [dreg:$0x0];
	s2 =	srdreg.scid  }
0x2: {  	s10 =	rddreg [dreg:$0x1];
	s0 =	stileid.u32;
	s25 =	sand.u32 $0x1, s2  }
0x3: {  	s1 =	rddreg [dreg:$0x2];
	s31 =	sshll.u32 s0, $0x2;
	s4 =	sshll.u32 s25, $0x1  }
0x4: {  	s3 =	rddreg [dreg:$0x3];
	s19 =	sor.u32 s4, s31  }
0x5: {  	s18 =	rddreg [dreg:$0x4];
	s4 =	simm.s32 $0x0;
	s7 =	sshll.u32 s19, $0x4  }
0x6: {  	[smem:$0x7FF] =	sst s4;
	s6 =	sor.u32 $0x400, s7  }
0x7: {  	s2 =	rddreg [dreg:$0x5];
	_ =	strace $0x80000047;
	s5 =	sadd.s32 s8, s6  }
0x8: {  	[tilespmem:s4], [sflag:$0x1] =	stream.linear.gather [hbm4b:s5+s4], $0x80, $0x38;
	[tilespmem:$0x10200] =	vst v63  }
0x9: {  	s11 =	sor.u32 $0x410, s7;
	s7 =	simm.s32 $0x100;
	s6 =	sadd.s32 s10, s6  }
0xa: {  	[tilespmem:s7], [sflag:$0x2] =	stream.linear.gather [hbm4b:s6+s4], $0x80, $0x38;
	[tilespmem:$0x10200] =	vst v63  }
0xb: {  	s9 =	simm.s32 $0x80;
	s8 =	sadd.s32 s8, s11  }
0xc: {  	[tilespmem:s9], [sflag:$0x1] =	stream.linear.gather [hbm4b:s8+s4], $0x80, $0x38;
	[tilespmem:$0x10200] =	vst v63  }
0xd: {  	s12 =	simm.s32 $0x1;
	s10 =	sadd.s32 s10, s11;
	s11 =	simm.s32 $0x180  }
0xe: {  	[tilespmem:s11], [sflag:$0x2] =	stream.linear.gather [hbm4b:s10+s4], $0x80, $0x38;
	[tilespmem:$0x10200] =	vst v63  }
0xf: {  	_ =	swait.ge [sflag:s12], $0x80  }
0x10: {  	[sflag:s12] =	ssyncset.done $0x0  }
0x11: {  	s13 =	simm.s32 $0x2;
	[sflag:s12] =	ssyncadd.s32 $0xFFFFFF80  }
0x12: {  	_ =	swait.ge [sflag:s13], $0x80  }
0x13: {  	[sflag:s13] =	ssyncset.done $0x0  }
0x14: {  	[sflag:s13] =	ssyncadd.s32 $0xFFFFFF80  }
0x15: {  	_ =	swait.ge [sflag:s12], $0x80  }
0x16: {  	[sflag:s12] =	ssyncset.done $0x0  }
0x17: {  	[sflag:s12] =	ssyncadd.s32 $0xFFFFFF80  }
0x18: {  	_ =	swait.ge [sflag:s13], $0x80  }
0x19: {  	[sflag:s13] =	ssyncset.done $0x0  }
0x1a: {  	s14 =	simm.s32 $0x200;
	[sflag:s13] =	ssyncadd.s32 $0xFFFFFF80  }
0x1b: {  	[tilespmem:s14], [sflag:$0x1] =	stream.indirect.gather [hbm4b:s1+s9], $0x80, s4, s9, $0xb8;
	[tilespmem:$0x10200] =	vst v63  }
0x1c: {  	s15 =	simm.s32 $0x8200  }
0x1d: {  	[tilespmem:s15], [sflag:$0x1] =	stream.indirect.gather [hbm4b:s3+s9], $0x80, s7, s9, $0xb8;
	[tilespmem:$0x10200] =	vst v63  }
0x1e: {  	s16 =	simm.s32 $0x4200  }
0x1f: {  	[tilespmem:s16], [sflag:$0x2] =	stream.indirect.gather [hbm4b:s1+s9], $0x80, s9, s9, $0xb8;
	[tilespmem:$0x10200] =	vst v63  }
0x20: {  	s17 =	simm.s32 $0xC200  }
0x21: {  	[tilespmem:s17], [sflag:$0x2] =	stream.indirect.gather [hbm4b:s3+s9], $0x80, s11, s9, $0xb8;
	[tilespmem:$0x10200] =	vst v63  }
0x22: {  	_ =	swait.ge [sflag:s12], $0x4000  }
0x23: {  	[sflag:s12] =	ssyncset.done $0x0  }
0x24: {  	[sflag:s12] =	ssyncadd.s32 $0xFFFFC000  }
0x25: {  	s19 =	sshll.u32 s19, $0xC;
	_ =	swait.ge [sflag:s12], $0x4000  }
0x26: {  	s20 =	simm.s32 $0x800;
	s23 =	sadd.s32 s19, s18;
	[sflag:s12] =	ssyncset.done $0x0  }
0x27: {  	s19 =	simm.s32 $0x400;
	s18 =	sadd.s32 $0x1A00, s23;
	[sflag:s12] =	ssyncadd.s32 $0xFFFFC000  }
0x28: {  	[hbm4b:s18+s19] =	stream.strided.scatter [tilespmem:s14], [sflag:$0x3], $0x4000, s20, s19, $0x38;
	[tilespmem:$0x10200] =	vst v63  }
0x29: {  	s21 =	sadd.s32 $0x1A80, s23  }
0x2a: {  	[hbm4b:s21+s19] =	stream.strided.scatter [tilespmem:s15], [sflag:$0x3], $0x4000, s20, s19, $0x38;
	[tilespmem:$0x10200] =	vst v63  }
0x2b: {  	_ =	swait.ge [sflag:s13], $0x4000  }
0x2c: {  	[sflag:s13] =	ssyncset.done $0x0  }
0x2d: {  	[sflag:s13] =	ssyncadd.s32 $0xFFFFC000  }
0x2e: {  	_ =	swait.ge [sflag:s13], $0x4000  }
0x2f: {  	[sflag:s13] =	ssyncset.done $0x0  }
0x30: {  	s22 =	sadd.s32 $0x2A00, s23;
	[sflag:s13] =	ssyncadd.s32 $0xFFFFC000  }
0x31: {  	[hbm4b:s22+s19] =	stream.strided.scatter [tilespmem:s16], [sflag:$0x4], $0x4000, s20, s19, $0x38;
	[tilespmem:$0x10200] =	vst v63  }
0x32: {  	s24 =	simm.s32 $0x3;
	s23 =	sadd.s32 $0x2A80, s23  }
0x33: {  	[hbm4b:s23+s19] =	stream.strided.scatter [tilespmem:s17], [sflag:$0x4], $0x4000, s20, s19, $0x38;
	[tilespmem:$0x10200] =	vst v63  }
0x34: {  	_ =	swait.ge [sflag:s24], $0x4000  }
0x35: {  	s26 =	ssub.s32 $0x2, s25;
	[sflag:s24] =	ssyncset.done $0x0  }
0x36: {  	s28 =	sshrl.u32 s26, $0x1;
	[sflag:s24] =	ssyncadd.s32 $0xFFFFC000  }
0x37: {  	s26 =	ssub.s32 s26, s28;
	_ =	swait.ge [sflag:s24], $0x4000  }
0x38: {  	s26 =	smax.u32 s26, $0x1;
	[sflag:s24] =	ssyncset.done $0x0  }
0x39: {  	s25 =	simm.s32 $0x4;
	p0 =	sne.s32 s26, $0x1;
	[sflag:s24] =	ssyncadd.s32 $0xFFFFC000  }
.Ltmp0:
0x3a: {  	_ =	swait.ge [sflag:s25], $0x4000;
	(pc) =	sbr.rel @!p0 .LBB2_2-.Ltmp0, $4  }
0x3b: {  	[sflag:s25] =	ssyncset.done $0x0  }
0x3c: {  	[sflag:s25] =	ssyncadd.s32 $0xFFFFC000  }
0x3d: {  	_ =	swait.ge [sflag:s25], $0x4000  }
0x3e: {  	s26 =	sadd.s32 $0xFFFFFFFF, s26;
	[sflag:s25] =	ssyncset.done $0x0  }
.LBB2_1:
0x3f: {  	p0 =	sne.s32 s26, $0x1;
	s26 =	sadd.s32 $0xFFFFFFFF, s26;
	[sflag:s25] =	ssyncadd.s32 $0xFFFFC000  }
0x40: {  	[tilespmem:s4], [sflag:$0x1] =	stream.linear.gather [hbm4b:s5+s4], $0x80, $0x38;
	[tilespmem:$0x10200] =	vst v63  }
0x41: {  	_ = 	snop  }
0x42: {  	[tilespmem:s7], [sflag:$0x2] =	stream.linear.gather [hbm4b:s6+s4], $0x80, $0x38;
	[tilespmem:$0x10200] =	vst v63  }
0x43: {  	_ = 	snop  }
0x44: {  	[tilespmem:s9], [sflag:$0x1] =	stream.linear.gather [hbm4b:s8+s4], $0x80, $0x38;
	[tilespmem:$0x10200] =	vst v63  }
0x45: {  	_ = 	snop  }
0x46: {  	[tilespmem:s11], [sflag:$0x2] =	stream.linear.gather [hbm4b:s10+s4], $0x80, $0x38;
	[tilespmem:$0x10200] =	vst v63  }
0x47: {  	_ =	swait.ge [sflag:s12], $0x80  }
0x48: {  	[sflag:s12] =	ssyncset.done $0x0  }
0x49: {  	[sflag:s12] =	ssyncadd.s32 $0xFFFFFF80  }
0x4a: {  	_ =	swait.ge [sflag:s13], $0x80  }
0x4b: {  	[sflag:s13] =	ssyncset.done $0x0  }
0x4c: {  	[sflag:s13] =	ssyncadd.s32 $0xFFFFFF80  }
0x4d: {  	_ =	swait.ge [sflag:s12], $0x80  }
0x4e: {  	[sflag:s12] =	ssyncset.done $0x0  }
0x4f: {  	[sflag:s12] =	ssyncadd.s32 $0xFFFFFF80  }
0x50: {  	_ =	swait.ge [sflag:s13], $0x80  }
0x51: {  	[sflag:s13] =	ssyncset.done $0x0  }
0x52: {  	[sflag:s13] =	ssyncadd.s32 $0xFFFFFF80  }
0x53: {  	[tilespmem:s14], [sflag:$0x1] =	stream.indirect.gather [hbm4b:s1+s9], $0x80, s4, s9, $0xb8;
	[tilespmem:$0x10200] =	vst v63  }
0x54: {  	_ = 	snop  }
0x55: {  	[tilespmem:s15], [sflag:$0x1] =	stream.indirect.gather [hbm4b:s3+s9], $0x80, s7, s9, $0xb8;
	[tilespmem:$0x10200] =	vst v63  }
0x56: {  	_ = 	snop  }
0x57: {  	[tilespmem:s16], [sflag:$0x2] =	stream.indirect.gather [hbm4b:s1+s9], $0x80, s9, s9, $0xb8;
	[tilespmem:$0x10200] =	vst v63  }
0x58: {  	_ = 	snop  }
0x59: {  	[tilespmem:s17], [sflag:$0x2] =	stream.indirect.gather [hbm4b:s3+s9], $0x80, s11, s9, $0xb8;
	[tilespmem:$0x10200] =	vst v63  }
0x5a: {  	_ =	swait.ge [sflag:s12], $0x4000  }
0x5b: {  	[sflag:s12] =	ssyncset.done $0x0  }
0x5c: {  	[sflag:s12] =	ssyncadd.s32 $0xFFFFC000  }
0x5d: {  	_ =	swait.ge [sflag:s12], $0x4000  }
0x5e: {  	[sflag:s12] =	ssyncset.done $0x0  }
0x5f: {  	[sflag:s12] =	ssyncadd.s32 $0xFFFFC000  }
0x60: {  	[hbm4b:s18+s19] =	stream.strided.scatter [tilespmem:s14], [sflag:$0x3], $0x4000, s20, s19, $0x38;
	[tilespmem:$0x10200] =	vst v63  }
0x61: {  	_ = 	snop  }
0x62: {  	[hbm4b:s21+s19] =	stream.strided.scatter [tilespmem:s15], [sflag:$0x3], $0x4000, s20, s19, $0x38;
	[tilespmem:$0x10200] =	vst v63  }
0x63: {  	_ =	swait.ge [sflag:s13], $0x4000  }
0x64: {  	[sflag:s13] =	ssyncset.done $0x0  }
0x65: {  	[sflag:s13] =	ssyncadd.s32 $0xFFFFC000  }
0x66: {  	_ =	swait.ge [sflag:s13], $0x4000  }
0x67: {  	[sflag:s13] =	ssyncset.done $0x0  }
0x68: {  	[sflag:s13] =	ssyncadd.s32 $0xFFFFC000  }
0x69: {  	[hbm4b:s22+s19] =	stream.strided.scatter [tilespmem:s16], [sflag:$0x4], $0x4000, s20, s19, $0x38;
	[tilespmem:$0x10200] =	vst v63  }
0x6a: {  	_ = 	snop  }
0x6b: {  	[hbm4b:s23+s19] =	stream.strided.scatter [tilespmem:s17], [sflag:$0x4], $0x4000, s20, s19, $0x38;
	[tilespmem:$0x10200] =	vst v63  }
0x6c: {  	_ =	swait.ge [sflag:s24], $0x4000  }
0x6d: {  	[sflag:s24] =	ssyncset.done $0x0  }
0x6e: {  	[sflag:s24] =	ssyncadd.s32 $0xFFFFC000  }
0x6f: {  	_ =	swait.ge [sflag:s24], $0x4000  }
0x70: {  	[sflag:s24] =	ssyncset.done $0x0  }
0x71: {  	[sflag:s24] =	ssyncadd.s32 $0xFFFFC000  }
.Ltmp1:
0x72: {  	_ =	swait.ge [sflag:s25], $0x4000;
	(pc) =	sbr.rel @p0 .LBB2_1-.Ltmp1, $4  }
0x73: {  	[sflag:s25] =	ssyncset.done $0x0  }
0x74: {  	[sflag:s25] =	ssyncadd.s32 $0xFFFFC000  }
0x75: {  	_ =	swait.ge [sflag:s25], $0x4000  }
0x76: {  	[sflag:s25] =	ssyncset.done $0x0  }
.LBB2_2:
0x77: {  	[sflag:s25] =	ssyncadd.s32 $0xFFFFC000  }
0x78: {  	_ =	sfence.sel $0x180000  }
0x79: {  	[bflag:$0x0] =	sbarrier.arrive $0xFFFF  }
0x7a: {  	p0 =	sne.s32 s0, $0x0;
	_ =	strace $0x90000047  }
0x7b: {  	s0 =	sadd.s32 @!p0 $0x100000, s2;
	[bflag:$0x2] =	sbarrier.arrive $0xFFFF  }
0x7c: {  	[sflag:s0] =	ssyncadd.tile.s32 @!p0 $0x1;
	_ =	shalt  }
.Lfunc_end2:
_tile_overlayer_lowered:
.L_overlay_start_2:
0x7d: {  	(tag) =	ssettag $0x2  }
0x7e: {  	s0 =	rddreg [dreg:$0x0];
	s2 =	stileid.u32  }
0x7f: {  	s1 =	rddreg [dreg:$0x1];
	p0 =	sne.s32 s2, $0x0  }
0x80: {  	s3 =	rddreg [dreg:$0x2];
	[bflag:$0x3] =	sbarrier.arrive $0xFFFF;
	s2 =	simm.s32 @!p0 $0x1C05  }
0x81: {  	[timem:s3], [sflag:s2] =	dma.local @!p0 [hbm:s0], s1  }
0x82: {  	s0 =	simm.s32 @!p0 $0x5  }
0x83: {  	_ =	swait.ge @!p0 [sflag:s0], s1  }
0x84: {  	s1 =	ssub.s32 @!p0 $0x0, s1;
	[sflag:s0] =	ssyncset.done @!p0 $0x0  }
0x85: {  	[sflag:s0] =	ssyncadd.s32 @!p0 s1  }
0x86: {  	[bflag:$0x3] =	sbarrier.arrive $0xFFFF  }
0x87: {  	_ =	shalt  }

</sc_bundles>
